<compile_context>
chip_gen: v7x
topology: tpu7x:2x2x1
jax: 0.10.2.dev20260603
libtpu: 0.0.44.dev20260713+nightly
codegen_flags: <defaults>
</compile_context>

<pallas_src>
import functools

import jax
import jax.numpy as jnp
from jax import lax
from jax.experimental import pallas as pl
from jax.experimental.pallas import tpu as pltpu
from jax.experimental.pallas import tpu_sc as plsc

K = 64
CHUNK = 1024
BIGI = 2**30


def _topk_body(q_ref, wq_ref, wk_ref, mem_ref, outv_ref, outi_ref,
               a_s, rv_s, ri_s, s_s, *, cap, nchunk):
    i = pl.program_id(0)
    b = q_ref.shape[0]

    @pl.when(i == 0)
    def _init():
        qw = lax.dot_general(q_ref[...], wq_ref[...], (((1,), (1,)), ((), ())))
        a_s[...] = lax.dot_general(qw, wk_ref[...], (((1,), (0,)), ((), ())))
        rv_s[...] = jnp.full((b, K), -jnp.inf, jnp.float32)
        ri_s[...] = jnp.zeros((b, K), jnp.int32)

    s = lax.dot_general(a_s[...], mem_ref[...], (((1,), (1,)), ((), ())))
    cols = i * CHUNK + lax.broadcasted_iota(jnp.int32, (b, CHUNK), 1)
    s = jnp.where(cols < cap, s, -jnp.inf)
    s_s[...] = s

    tmin0 = jnp.min(rv_s[...], axis=1, keepdims=True)
    cnt = jnp.sum((s > tmin0).astype(jnp.int32), axis=1)
    nrounds = jnp.minimum(jnp.max(cnt), K)

    kio = lax.broadcasted_iota(jnp.int32, (b, K), 1)

    def _round(_, carry):
        sv = s_s[...]
        rv = rv_s[...]
        ri = ri_s[...]
        tmin = jnp.min(rv, axis=1, keepdims=True)
        m = jnp.max(sv, axis=1, keepdims=True)
        ins = m > tmin
        p = jnp.min(jnp.where(sv == m, cols, BIGI), axis=1, keepdims=True)
        s_s[...] = jnp.where(cols == p, -jnp.inf, sv)
        q = jnp.min(jnp.where(rv == tmin, kio, BIGI), axis=1, keepdims=True)
        sel = (kio == q) & ins
        rv_s[...] = jnp.where(sel, m, rv)
        ri_s[...] = jnp.where(sel, p, ri)
        return carry

    lax.fori_loop(0, nrounds, _round, 0)

    @pl.when(i == nchunk - 1)
    def _fin():
        outv_ref[...] = rv_s[...]
        outi_ref[...] = ri_s[...]


def _read_body(rv_ref, tk_ref, rows_ref, wv_ref, out_ref):
    rv = rv_ref[...]
    tk = tk_ref[0, 0]
    rank = jnp.sum((rv[:, None, :] > rv[:, :, None]).astype(jnp.float32),
                   axis=2)
    m = jnp.max(rv, axis=1, keepdims=True)
    e = jnp.exp(rv - m)
    e = jnp.where(rank < tk.astype(jnp.float32), e, 0.0)
    w = e / jnp.sum(e, axis=1, keepdims=True)
    rows = rows_ref[...]
    u = jnp.sum(w[:, :, None] * rows, axis=1)[:, :wv_ref.shape[1]]
    out_ref[...] = lax.dot_general(u, wv_ref[...], (((1,), (1,)), ((), ())))


def _sc_gather(idx_flat, table):
    n = idx_flat.shape[0]
    d = table.shape[1]
    info = plsc.get_sparse_core_info()
    nw = info.num_cores * info.num_subcores
    gchunk = 128
    per_w = n // nw
    niter = per_w // gchunk
    mesh = plsc.VectorSubcoreMesh(core_axis_name="c", subcore_axis_name="s")

    @functools.partial(
        pl.kernel, mesh=mesh,
        out_type=jax.ShapeDtypeStruct((n, d), jnp.float32),
        scratch_types=[
            pltpu.VMEM((gchunk,), jnp.int32),
            pltpu.VMEM((gchunk, d), jnp.float32),
            pltpu.SemaphoreType.DMA,
        ],
    )
    def gather_k(idx_hbm, table_hbm, out_hbm, idx_v, rows_v, sem):
        wid = lax.axis_index("s") * info.num_cores + lax.axis_index("c")
        base = wid * per_w
        for j in range(niter):
            off = base + j * gchunk
            pltpu.sync_copy(idx_hbm.at[pl.ds(off, gchunk)], idx_v)
            pltpu.async_copy(table_hbm.at[idx_v], rows_v, sem).wait()
            pltpu.sync_copy(rows_v, out_hbm.at[pl.ds(off, gchunk)])

    return gather_k(idx_flat, table)


def kernel(query, top_k, memory, Wq, Wk, Wv):
    b, d = query.shape
    cap = memory.shape[0]
    nchunk = (cap + CHUNK - 1) // CHUNK
    dp = 128
    memp = jnp.pad(memory, ((0, 0), (0, dp - d)))

    vals, idx = pl.pallas_call(
        functools.partial(_topk_body, cap=cap, nchunk=nchunk),
        grid=(nchunk,),
        in_specs=[
            pl.BlockSpec((b, d), lambda i: (0, 0)),
            pl.BlockSpec((d, d), lambda i: (0, 0)),
            pl.BlockSpec((d, d), lambda i: (0, 0)),
            pl.BlockSpec((CHUNK, d), lambda i: (i, 0)),
        ],
        out_specs=[
            pl.BlockSpec((b, K), lambda i: (0, 0)),
            pl.BlockSpec((b, K), lambda i: (0, 0)),
        ],
        out_shape=[
            jax.ShapeDtypeStruct((b, K), jnp.float32),
            jax.ShapeDtypeStruct((b, K), jnp.int32),
        ],
        scratch_shapes=[
            pltpu.VMEM((b, d), jnp.float32),
            pltpu.VMEM((b, K), jnp.float32),
            pltpu.VMEM((b, K), jnp.int32),
            pltpu.VMEM((b, CHUNK), jnp.float32),
        ],
    )(query, Wq, Wk, memory)

    rows = _sc_gather(idx.reshape(b * K), memp)
    rows3 = rows.reshape(b, K, dp)
    tk = jnp.asarray(top_k, jnp.int32).reshape(1, 1)

    bb = 128
    out = pl.pallas_call(
        _read_body,
        grid=(b // bb,),
        in_specs=[
            pl.BlockSpec((bb, K), lambda i: (i, 0)),
            pl.BlockSpec((1, 1), lambda i: (0, 0), memory_space=pltpu.SMEM),
            pl.BlockSpec((bb, K, dp), lambda i: (i, 0, 0)),
            pl.BlockSpec((d, d), lambda i: (0, 0)),
        ],
        out_specs=pl.BlockSpec((bb, d), lambda i: (i, 0)),
        out_shape=jax.ShapeDtypeStruct((b, d), jnp.float32),
    )(vals, tk, rows3, Wv)
    return out

# --- scband reference (transcript-rebuilt; emitter-appended) ---
"""Pipeline reference for scband-episodic-memory-41652592836910 (READ-ONLY COPY).

The authoritative reference and input builder live on the scoring server;
editing this copy changes nothing except your own understanding.
"""

import jax, jax.numpy as jnp
import numpy as np

CAPACITY = 100000
D_MEMORY = 64
BETA = 1.0
BATCH = 1024
TOP_K = 64


def setup_inputs(seed: int = 0) -> dict:
    key = jax.random.key(seed)
    ks = jax.random.split(key, 5)
    query = jax.random.normal(ks[0], (BATCH, D_MEMORY), dtype=jnp.float32)
    # Buffers/parameters: model a fully populated memory bank (count == capacity).
    memory = jax.random.normal(ks[1], (CAPACITY, D_MEMORY), dtype=jnp.float32)
    scale = 1.0 / np.sqrt(D_MEMORY)
    Wq = jax.random.normal(ks[2], (D_MEMORY, D_MEMORY), dtype=jnp.float32) * scale
    Wk = jax.random.normal(ks[3], (D_MEMORY, D_MEMORY), dtype=jnp.float32) * scale
    Wv = jax.random.normal(ks[4], (D_MEMORY, D_MEMORY), dtype=jnp.float32) * scale
    return {"query": query, "top_k": TOP_K, "memory": memory, "Wq": Wq, "Wk": Wk, "Wv": Wv}


def reference(query, top_k, memory, Wq, Wk, Wv):
    # EpisodicMemory.read with a full memory bank (n_stored == capacity).
    # nn.Linear(x) == x @ W.T (no bias for q/k/v projections).
    q = query @ Wq.T                       # (B, d)
    k = memory @ Wk.T                      # (C, d)
    v = memory @ Wv.T                      # (C, d)
    scores = (q @ k.T) * BETA              # (B, C)
    # top_k < n_stored -> sparse top-k masking via scatter (torch scatter_ -> .at[].set)
    topk_vals, topk_idx = jax.lax.top_k(scores, TOP_K)   # (B, K)
    valid = jnp.arange(TOP_K) < top_k                    # (K,)
    topk_vals = jnp.where(valid, topk_vals, -jnp.inf)    # (B, K)
    rows = jnp.arange(scores.shape[0])[:, None]          # (B, 1)
    masked = jnp.full_like(scores, -jnp.inf)
    masked = masked.at[rows, topk_idx].set(topk_vals)    # scatter-overwrite
    attn = jax.nn.softmax(masked, axis=-1)               # (B, C)
    retrieved = attn @ v                                 # (B, d)
    return retrieved

if __name__ == "__main__":
    import jax
    _d = setup_inputs()
    print(jax.jit(kernel)(*tuple(_d.values())))

</pallas_src>

<mosaic_0001>
#map = affine_map<(d0, d1) -> (0)>
#map1 = affine_map<(d0, d1) -> (0, 0)>
module attributes {stable_mosaic.version = 14 : i64} {
  func.func @gather_k(%arg0: i32, %arg1: i32, %arg2: memref<65536xi32, #tpu.memory_space<hbm>>, %arg3: memref<100000x128xf32, #tpu.memory_space<hbm>>, %arg4: memref<65536x128xf32, #tpu.memory_space<hbm>>, %arg5: memref<128xi32, #tpu.memory_space<vmem>>, %arg6: memref<128x128xf32, #tpu.memory_space<vmem>>, %arg7: memref<!tpu.dma_semaphore, #tpu.memory_space<semaphore_mem>>) attributes {dimension_semantics = [#tpu.dimension_semantics<core_parallel>, #tpu.dimension_semantics<subcore_parallel>], iteration_bounds = array<i64: 2, 16>, scalar_prefetch = 0 : i64, scratch_operands = 3 : i64, tpu.core_type = #tpu.core_type<sc_vector_subcore>, window_params = [{transform_indices = #map}, {transform_indices = #map1}, {transform_indices = #map1}]} {
    %mul3A = arith.constant 2 : i32
    %mul3A_0 = arith.muli %arg1, %mul3A : i32
    %add3A = arith.addi %mul3A_0, %arg0 : i32
    %mul3A_1 = arith.constant 2048 : i32
    %mul3A_2 = arith.muli %add3A, %mul3A_1 : i32
    %add3A_3 = arith.constant 0 : i32
    %add3A_4 = arith.addi %mul3A_2, %add3A_3 : i32
    "tpu.region"() ({
      %run_scoped3A = tpu.sem_alloc : memref<!tpu.dma_semaphore, #tpu.memory_space<semaphore_mem>>
      %dma_start3A_129 = tpu.memref_slice %arg2[%add3A_4] : memref<65536xi32, #tpu.memory_space<hbm>> -> memref<128xi32, #tpu.memory_space<hbm>>
      %dma_start3A_130 = tpu.memref_slice %arg2[%add3A_4] : memref<65536xi32, #tpu.memory_space<hbm>> -> memref<128xi32, #tpu.memory_space<hbm>>
      tpu.enqueue_dma source(%dma_start3A_130 : memref<128xi32, #tpu.memory_space<hbm>>) target(%arg5 : memref<128xi32, #tpu.memory_space<vmem>>) target_semaphore(%run_scoped3A : memref<!tpu.dma_semaphore, #tpu.memory_space<semaphore_mem>>)
      %dma_wait3A_131 = tpu.memref_slice %arg2[%add3A_4] : memref<65536xi32, #tpu.memory_space<hbm>> -> memref<128xi32, #tpu.memory_space<hbm>>
      %dma_wait3A_132 = tpu.memref_slice %arg2[%add3A_4] : memref<65536xi32, #tpu.memory_space<hbm>> -> memref<128xi32, #tpu.memory_space<hbm>>
      tpu.wait_dma2 semaphore(%run_scoped3A : memref<!tpu.dma_semaphore, #tpu.memory_space<semaphore_mem>>) src(%dma_wait3A_132 : memref<128xi32, #tpu.memory_space<hbm>>) dst(%arg5 : memref<128xi32, #tpu.memory_space<vmem>>)
      tpu.yield
    }) : () -> ()
    %dma_start3A = arith.constant 0 : i32
    %dma_start3A_5 = arith.constant 0 : i32
    %dma_start3A_6 = tpu.memref_slice %arg3[%dma_start3A, %dma_start3A_5] : memref<100000x128xf32, #tpu.memory_space<hbm>> -> memref<100000x128xf32, #tpu.memory_space<hbm>>
    tpu.enqueue_indirect_dma source(%dma_start3A_6 : memref<100000x128xf32, #tpu.memory_space<hbm>>) target(%arg6 : memref<128x128xf32, #tpu.memory_space<vmem>>) offsets(%arg5 : memref<128xi32, #tpu.memory_space<vmem>>) semaphore(%arg7 : memref<!tpu.dma_semaphore, #tpu.memory_space<semaphore_mem>>)
    %dma_wait3A = arith.constant 0 : i32
    %dma_wait3A_7 = arith.constant 0 : i32
    %dma_wait3A_8 = tpu.memref_slice %arg3[%dma_wait3A, %dma_wait3A_7] : memref<100000x128xf32, #tpu.memory_space<hbm>> -> memref<100000x128xf32, #tpu.memory_space<hbm>>
    tpu.wait_indirect_dma semaphore(%arg7 : memref<!tpu.dma_semaphore, #tpu.memory_space<semaphore_mem>>) src(%dma_wait3A_8 : memref<100000x128xf32, #tpu.memory_space<hbm>>) dst(%arg6 : memref<128x128xf32, #tpu.memory_space<vmem>>)
    "tpu.region"() ({
      %run_scoped3A = tpu.sem_alloc : memref<!tpu.dma_semaphore, #tpu.memory_space<semaphore_mem>>
      %dma_start3A_129 = arith.constant 0 : i32
      %dma_start3A_130 = tpu.memref_slice %arg4[%add3A_4, %dma_start3A_129] : memref<65536x128xf32, #tpu.memory_space<hbm>> -> memref<128x128xf32, #tpu.memory_space<hbm>>
      %dma_start3A_131 = arith.constant 0 : i32
      %dma_start3A_132 = tpu.memref_slice %arg4[%add3A_4, %dma_start3A_131] : memref<65536x128xf32, #tpu.memory_space<hbm>> -> memref<128x128xf32, #tpu.memory_space<hbm>>
      tpu.enqueue_dma source(%arg6 : memref<128x128xf32, #tpu.memory_space<vmem>>) target(%dma_start3A_132 : memref<128x128xf32, #tpu.memory_space<hbm>>) target_semaphore(%run_scoped3A : memref<!tpu.dma_semaphore, #tpu.memory_space<semaphore_mem>>)
      %dma_wait3A_133 = arith.constant 0 : i32
      %dma_wait3A_134 = tpu.memref_slice %arg4[%add3A_4, %dma_wait3A_133] : memref<65536x128xf32, #tpu.memory_space<hbm>> -> memref<128x128xf32, #tpu.memory_space<hbm>>
      %dma_wait3A_135 = arith.constant 0 : i32
      %dma_wait3A_136 = tpu.memref_slice %arg4[%add3A_4, %dma_wait3A_135] : memref<65536x128xf32, #tpu.memory_space<hbm>> -> memref<128x128xf32, #tpu.memory_space<hbm>>
      tpu.wait_dma2 semaphore(%run_scoped3A : memref<!tpu.dma_semaphore, #tpu.memory_space<semaphore_mem>>) src(%arg6 : memref<128x128xf32, #tpu.memory_space<vmem>>) dst(%dma_wait3A_136 : memref<128x128xf32, #tpu.memory_space<hbm>>)
      tpu.yield
    }) : () -> ()
    %add3A_9 = arith.constant 128 : i32
    %add3A_10 = arith.addi %mul3A_2, %add3A_9 : i32
    "tpu.region"() ({
      %run_scoped3A = tpu.sem_alloc : memref<!tpu.dma_semaphore, #tpu.memory_space<semaphore_mem>>
      %dma_start3A_129 = tpu.memref_slice %arg2[%add3A_10] : memref<65536xi32, #tpu.memory_space<hbm>> -> memref<128xi32, #tpu.memory_space<hbm>>
      %dma_start3A_130 = tpu.memref_slice %arg2[%add3A_10] : memref<65536xi32, #tpu.memory_space<hbm>> -> memref<128xi32, #tpu.memory_space<hbm>>
      tpu.enqueue_dma source(%dma_start3A_130 : memref<128xi32, #tpu.memory_space<hbm>>) target(%arg5 : memref<128xi32, #tpu.memory_space<vmem>>) target_semaphore(%run_scoped3A : memref<!tpu.dma_semaphore, #tpu.memory_space<semaphore_mem>>)
      %dma_wait3A_131 = tpu.memref_slice %arg2[%add3A_10] : memref<65536xi32, #tpu.memory_space<hbm>> -> memref<128xi32, #tpu.memory_space<hbm>>
      %dma_wait3A_132 = tpu.memref_slice %arg2[%add3A_10] : memref<65536xi32, #tpu.memory_space<hbm>> -> memref<128xi32, #tpu.memory_space<hbm>>
      tpu.wait_dma2 semaphore(%run_scoped3A : memref<!tpu.dma_semaphore, #tpu.memory_space<semaphore_mem>>) src(%dma_wait3A_132 : memref<128xi32, #tpu.memory_space<hbm>>) dst(%arg5 : memref<128xi32, #tpu.memory_space<vmem>>)
      tpu.yield
    }) : () -> ()
    %dma_start3A_11 = arith.constant 0 : i32
    %dma_start3A_12 = arith.constant 0 : i32
    %dma_start3A_13 = tpu.memref_slice %arg3[%dma_start3A_11, %dma_start3A_12] : memref<100000x128xf32, #tpu.memory_space<hbm>> -> memref<100000x128xf32, #tpu.memory_space<hbm>>
    tpu.enqueue_indirect_dma source(%dma_start3A_13 : memref<100000x128xf32, #tpu.memory_space<hbm>>) target(%arg6 : memref<128x128xf32, #tpu.memory_space<vmem>>) offsets(%arg5 : memref<128xi32, #tpu.memory_space<vmem>>) semaphore(%arg7 : memref<!tpu.dma_semaphore, #tpu.memory_space<semaphore_mem>>)
    %dma_wait3A_14 = arith.constant 0 : i32
    %dma_wait3A_15 = arith.constant 0 : i32
    %dma_wait3A_16 = tpu.memref_slice %arg3[%dma_wait3A_14, %dma_wait3A_15] : memref<100000x128xf32, #tpu.memory_space<hbm>> -> memref<100000x128xf32, #tpu.memory_space<hbm>>
    tpu.wait_indirect_dma semaphore(%arg7 : memref<!tpu.dma_semaphore, #tpu.memory_space<semaphore_mem>>) src(%dma_wait3A_16 : memref<100000x128xf32, #tpu.memory_space<hbm>>) dst(%arg6 : memref<128x128xf32, #tpu.memory_space<vmem>>)
    "tpu.region"() ({
      %run_scoped3A = tpu.sem_alloc : memref<!tpu.dma_semaphore, #tpu.memory_space<semaphore_mem>>
      %dma_start3A_129 = arith.constant 0 : i32
      %dma_start3A_130 = tpu.memref_slice %arg4[%add3A_10, %dma_start3A_129] : memref<65536x128xf32, #tpu.memory_space<hbm>> -> memref<128x128xf32, #tpu.memory_space<hbm>>
      %dma_start3A_131 = arith.constant 0 : i32
      %dma_start3A_132 = tpu.memref_slice %arg4[%add3A_10, %dma_start3A_131] : memref<65536x128xf32, #tpu.memory_space<hbm>> -> memref<128x128xf32, #tpu.memory_space<hbm>>
      tpu.enqueue_dma source(%arg6 : memref<128x128xf32, #tpu.memory_space<vmem>>) target(%dma_start3A_132 : memref<128x128xf32, #tpu.memory_space<hbm>>) target_semaphore(%run_scoped3A : memref<!tpu.dma_semaphore, #tpu.memory_space<semaphore_mem>>)
      %dma_wait3A_133 = arith.constant 0 : i32
      %dma_wait3A_134 = tpu.memref_slice %arg4[%add3A_10, %dma_wait3A_133] : memref<65536x128xf32, #tpu.memory_space<hbm>> -> memref<128x128xf32, #tpu.memory_space<hbm>>
      %dma_wait3A_135 = arith.constant 0 : i32
      %dma_wait3A_136 = tpu.memref_slice %arg4[%add3A_10, %dma_wait3A_135] : memref<65536x128xf32, #tpu.memory_space<hbm>> -> memref<128x128xf32, #tpu.memory_space<hbm>>
      tpu.wait_dma2 semaphore(%run_scoped3A : memref<!tpu.dma_semaphore, #tpu.memory_space<semaphore_mem>>) src(%arg6 : memref<128x128xf32, #tpu.memory_space<vmem>>) dst(%dma_wait3A_136 : memref<128x128xf32, #tpu.memory_space<hbm>>)
      tpu.yield
    }) : () -> ()
    %add3A_17 = arith.constant 256 : i32
    %add3A_18 = arith.addi %mul3A_2, %add3A_17 : i32
    "tpu.region"() ({
      %run_scoped3A = tpu.sem_alloc : memref<!tpu.dma_semaphore, #tpu.memory_space<semaphore_mem>>
      %dma_start3A_129 = tpu.memref_slice %arg2[%add3A_18] : memref<65536xi32, #tpu.memory_space<hbm>> -> memref<128xi32, #tpu.memory_space<hbm>>
      %dma_start3A_130 = tpu.memref_slice %arg2[%add3A_18] : memref<65536xi32, #tpu.memory_space<hbm>> -> memref<128xi32, #tpu.memory_space<hbm>>
      tpu.enqueue_dma source(%dma_start3A_130 : memref<128xi32, #tpu.memory_space<hbm>>) target(%arg5 : memref<128xi32, #tpu.memory_space<vmem>>) target_semaphore(%run_scoped3A : memref<!tpu.dma_semaphore, #tpu.memory_space<semaphore_mem>>)
      %dma_wait3A_131 = tpu.memref_slice %arg2[%add3A_18] : memref<65536xi32, #tpu.memory_space<hbm>> -> memref<128xi32, #tpu.memory_space<hbm>>
      %dma_wait3A_132 = tpu.memref_slice %arg2[%add3A_18] : memref<65536xi32, #tpu.memory_space<hbm>> -> memref<128xi32, #tpu.memory_space<hbm>>
      tpu.wait_dma2 semaphore(%run_scoped3A : memref<!tpu.dma_semaphore, #tpu.memory_space<semaphore_mem>>) src(%dma_wait3A_132 : memref<128xi32, #tpu.memory_space<hbm>>) dst(%arg5 : memref<128xi32, #tpu.memory_space<vmem>>)
      tpu.yield
    }) : () -> ()
    %dma_start3A_19 = arith.constant 0 : i32
    %dma_start3A_20 = arith.constant 0 : i32
    %dma_start3A_21 = tpu.memref_slice %arg3[%dma_start3A_19, %dma_start3A_20] : memref<100000x128xf32, #tpu.memory_space<hbm>> -> memref<100000x128xf32, #tpu.memory_space<hbm>>
    tpu.enqueue_indirect_dma source(%dma_start3A_21 : memref<100000x128xf32, #tpu.memory_space<hbm>>) target(%arg6 : memref<128x128xf32, #tpu.memory_space<vmem>>) offsets(%arg5 : memref<128xi32, #tpu.memory_space<vmem>>) semaphore(%arg7 : memref<!tpu.dma_semaphore, #tpu.memory_space<semaphore_mem>>)
    %dma_wait3A_22 = arith.constant 0 : i32
    %dma_wait3A_23 = arith.constant 0 : i32
    %dma_wait3A_24 = tpu.memref_slice %arg3[%dma_wait3A_22, %dma_wait3A_23] : memref<100000x128xf32, #tpu.memory_space<hbm>> -> memref<100000x128xf32, #tpu.memory_space<hbm>>
    tpu.wait_indirect_dma semaphore(%arg7 : memref<!tpu.dma_semaphore, #tpu.memory_space<semaphore_mem>>) src(%dma_wait3A_24 : memref<100000x128xf32, #tpu.memory_space<hbm>>) dst(%arg6 : memref<128x128xf32, #tpu.memory_space<vmem>>)
    "tpu.region"() ({
      %run_scoped3A = tpu.sem_alloc : memref<!tpu.dma_semaphore, #tpu.memory_space<semaphore_mem>>
      %dma_start3A_129 = arith.constant 0 : i32
      %dma_start3A_130 = tpu.memref_slice %arg4[%add3A_18, %dma_start3A_129] : memref<65536x128xf32, #tpu.memory_space<hbm>> -> memref<128x128xf32, #tpu.memory_space<hbm>>
      %dma_start3A_131 = arith.constant 0 : i32
      %dma_start3A_132 = tpu.memref_slice %arg4[%add3A_18, %dma_start3A_131] : memref<65536x128xf32, #tpu.memory_space<hbm>> -> memref<128x128xf32, #tpu.memory_space<hbm>>
      tpu.enqueue_dma source(%arg6 : memref<128x128xf32, #tpu.memory_space<vmem>>) target(%dma_start3A_132 : memref<128x128xf32, #tpu.memory_space<hbm>>) target_semaphore(%run_scoped3A : memref<!tpu.dma_semaphore, #tpu.memory_space<semaphore_mem>>)
      %dma_wait3A_133 = arith.constant 0 : i32
      %dma_wait3A_134 = tpu.memref_slice %arg4[%add3A_18, %dma_wait3A_133] : memref<65536x128xf32, #tpu.memory_space<hbm>> -> memref<128x128xf32, #tpu.memory_space<hbm>>
      %dma_wait3A_135 = arith.constant 0 : i32
      %dma_wait3A_136 = tpu.memref_slice %arg4[%add3A_18, %dma_wait3A_135] : memref<65536x128xf32, #tpu.memory_space<hbm>> -> memref<128x128xf32, #tpu.memory_space<hbm>>
      tpu.wait_dma2 semaphore(%run_scoped3A : memref<!tpu.dma_semaphore, #tpu.memory_space<semaphore_mem>>) src(%arg6 : memref<128x128xf32, #tpu.memory_space<vmem>>) dst(%dma_wait3A_136 : memref<128x128xf32, #tpu.memory_space<hbm>>)
      tpu.yield
    }) : () -> ()
    %add3A_25 = arith.constant 384 : i32
    %add3A_26 = arith.addi %mul3A_2, %add3A_25 : i32
    "tpu.region"() ({
      %run_scoped3A = tpu.sem_alloc : memref<!tpu.dma_semaphore, #tpu.memory_space<semaphore_mem>>
      %dma_start3A_129 = tpu.memref_slice %arg2[%add3A_26] : memref<65536xi32, #tpu.memory_space<hbm>> -> memref<128xi32, #tpu.memory_space<hbm>>
      %dma_start3A_130 = tpu.memref_slice %arg2[%add3A_26] : memref<65536xi32, #tpu.memory_space<hbm>> -> memref<128xi32, #tpu.memory_space<hbm>>
      tpu.enqueue_dma source(%dma_start3A_130 : memref<128xi32, #tpu.memory_space<hbm>>) target(%arg5 : memref<128xi32, #tpu.memory_space<vmem>>) target_semaphore(%run_scoped3A : memref<!tpu.dma_semaphore, #tpu.memory_space<semaphore_mem>>)
      %dma_wait3A_131 = tpu.memref_slice %arg2[%add3A_26] : memref<65536xi32, #tpu.memory_space<hbm>> -> memref<128xi32, #tpu.memory_space<hbm>>
      %dma_wait3A_132 = tpu.memref_slice %arg2[%add3A_26] : memref<65536xi32, #tpu.memory_space<hbm>> -> memref<128xi32, #tpu.memory_space<hbm>>
      tpu.wait_dma2 semaphore(%run_scoped3A : memref<!tpu.dma_semaphore, #tpu.memory_space<semaphore_mem>>) src(%dma_wait3A_132 : memref<128xi32, #tpu.memory_space<hbm>>) dst(%arg5 : memref<128xi32, #tpu.memory_space<vmem>>)
      tpu.yield
    }) : () -> ()
    %dma_start3A_27 = arith.constant 0 : i32
    %dma_start3A_28 = arith.constant 0 : i32
    %dma_start3A_29 = tpu.memref_slice %arg3[%dma_start3A_27, %dma_start3A_28] : memref<100000x128xf32, #tpu.memory_space<hbm>> -> memref<100000x128xf32, #tpu.memory_space<hbm>>
    tpu.enqueue_indirect_dma source(%dma_start3A_29 : memref<100000x128xf32, #tpu.memory_space<hbm>>) target(%arg6 : memref<128x128xf32, #tpu.memory_space<vmem>>) offsets(%arg5 : memref<128xi32, #tpu.memory_space<vmem>>) semaphore(%arg7 : memref<!tpu.dma_semaphore, #tpu.memory_space<semaphore_mem>>)
    %dma_wait3A_30 = arith.constant 0 : i32
    %dma_wait3A_31 = arith.constant 0 : i32
    %dma_wait3A_32 = tpu.memref_slice %arg3[%dma_wait3A_30, %dma_wait3A_31] : memref<100000x128xf32, #tpu.memory_space<hbm>> -> memref<100000x128xf32, #tpu.memory_space<hbm>>
    tpu.wait_indirect_dma semaphore(%arg7 : memref<!tpu.dma_semaphore, #tpu.memory_space<semaphore_mem>>) src(%dma_wait3A_32 : memref<100000x128xf32, #tpu.memory_space<hbm>>) dst(%arg6 : memref<128x128xf32, #tpu.memory_space<vmem>>)
    "tpu.region"() ({
      %run_scoped3A = tpu.sem_alloc : memref<!tpu.dma_semaphore, #tpu.memory_space<semaphore_mem>>
      %dma_start3A_129 = arith.constant 0 : i32
      %dma_start3A_130 = tpu.memref_slice %arg4[%add3A_26, %dma_start3A_129] : memref<65536x128xf32, #tpu.memory_space<hbm>> -> memref<128x128xf32, #tpu.memory_space<hbm>>
      %dma_start3A_131 = arith.constant 0 : i32
      %dma_start3A_132 = tpu.memref_slice %arg4[%add3A_26, %dma_start3A_131] : memref<65536x128xf32, #tpu.memory_space<hbm>> -> memref<128x128xf32, #tpu.memory_space<hbm>>
      tpu.enqueue_dma source(%arg6 : memref<128x128xf32, #tpu.memory_space<vmem>>) target(%dma_start3A_132 : memref<128x128xf32, #tpu.memory_space<hbm>>) target_semaphore(%run_scoped3A : memref<!tpu.dma_semaphore, #tpu.memory_space<semaphore_mem>>)
      %dma_wait3A_133 = arith.constant 0 : i32
      %dma_wait3A_134 = tpu.memref_slice %arg4[%add3A_26, %dma_wait3A_133] : memref<65536x128xf32, #tpu.memory_space<hbm>> -> memref<128x128xf32, #tpu.memory_space<hbm>>
      %dma_wait3A_135 = arith.constant 0 : i32
      %dma_wait3A_136 = tpu.memref_slice %arg4[%add3A_26, %dma_wait3A_135] : memref<65536x128xf32, #tpu.memory_space<hbm>> -> memref<128x128xf32, #tpu.memory_space<hbm>>
      tpu.wait_dma2 semaphore(%run_scoped3A : memref<!tpu.dma_semaphore, #tpu.memory_space<semaphore_mem>>) src(%arg6 : memref<128x128xf32, #tpu.memory_space<vmem>>) dst(%dma_wait3A_136 : memref<128x128xf32, #tpu.memory_space<hbm>>)
      tpu.yield
    }) : () -> ()
    %add3A_33 = arith.constant 512 : i32
    %add3A_34 = arith.addi %mul3A_2, %add3A_33 : i32
    "tpu.region"() ({
      %run_scoped3A = tpu.sem_alloc : memref<!tpu.dma_semaphore, #tpu.memory_space<semaphore_mem>>
      %dma_start3A_129 = tpu.memref_slice %arg2[%add3A_34] : memref<65536xi32, #tpu.memory_space<hbm>> -> memref<128xi32, #tpu.memory_space<hbm>>
      %dma_start3A_130 = tpu.memref_slice %arg2[%add3A_34] : memref<65536xi32, #tpu.memory_space<hbm>> -> memref<128xi32, #tpu.memory_space<hbm>>
      tpu.enqueue_dma source(%dma_start3A_130 : memref<128xi32, #tpu.memory_space<hbm>>) target(%arg5 : memref<128xi32, #tpu.memory_space<vmem>>) target_semaphore(%run_scoped3A : memref<!tpu.dma_semaphore, #tpu.memory_space<semaphore_mem>>)
      %dma_wait3A_131 = tpu.memref_slice %arg2[%add3A_34] : memref<65536xi32, #tpu.memory_space<hbm>> -> memref<128xi32, #tpu.memory_space<hbm>>
      %dma_wait3A_132 = tpu.memref_slice %arg2[%add3A_34] : memref<65536xi32, #tpu.memory_space<hbm>> -> memref<128xi32, #tpu.memory_space<hbm>>
      tpu.wait_dma2 semaphore(%run_scoped3A : memref<!tpu.dma_semaphore, #tpu.memory_space<semaphore_mem>>) src(%dma_wait3A_132 : memref<128xi32, #tpu.memory_space<hbm>>) dst(%arg5 : memref<128xi32, #tpu.memory_space<vmem>>)
      tpu.yield
    }) : () -> ()
    %dma_start3A_35 = arith.constant 0 : i32
    %dma_start3A_36 = arith.constant 0 : i32
    %dma_start3A_37 = tpu.memref_slice %arg3[%dma_start3A_35, %dma_start3A_36] : memref<100000x128xf32, #tpu.memory_space<hbm>> -> memref<100000x128xf32, #tpu.memory_space<hbm>>
    tpu.enqueue_indirect_dma source(%dma_start3A_37 : memref<100000x128xf32, #tpu.memory_space<hbm>>) target(%arg6 : memref<128x128xf32, #tpu.memory_space<vmem>>) offsets(%arg5 : memref<128xi32, #tpu.memory_space<vmem>>) semaphore(%arg7 : memref<!tpu.dma_semaphore, #tpu.memory_space<semaphore_mem>>)
    %dma_wait3A_38 = arith.constant 0 : i32
    %dma_wait3A_39 = arith.constant 0 : i32
    %dma_wait3A_40 = tpu.memref_slice %arg3[%dma_wait3A_38, %dma_wait3A_39] : memref<100000x128xf32, #tpu.memory_space<hbm>> -> memref<100000x128xf32, #tpu.memory_space<hbm>>
    tpu.wait_indirect_dma semaphore(%arg7 : memref<!tpu.dma_semaphore, #tpu.memory_space<semaphore_mem>>) src(%dma_wait3A_40 : memref<100000x128xf32, #tpu.memory_space<hbm>>) dst(%arg6 : memref<128x128xf32, #tpu.memory_space<vmem>>)
    "tpu.region"() ({
      %run_scoped3A = tpu.sem_alloc : memref<!tpu.dma_semaphore, #tpu.memory_space<semaphore_mem>>
      %dma_start3A_129 = arith.constant 0 : i32
      %dma_start3A_130 = tpu.memref_slice %arg4[%add3A_34, %dma_start3A_129] : memref<65536x128xf32, #tpu.memory_space<hbm>> -> memref<128x128xf32, #tpu.memory_space<hbm>>
      %dma_start3A_131 = arith.constant 0 : i32
      %dma_start3A_132 = tpu.memref_slice %arg4[%add3A_34, %dma_start3A_131] : memref<65536x128xf32, #tpu.memory_space<hbm>> -> memref<128x128xf32, #tpu.memory_space<hbm>>
      tpu.enqueue_dma source(%arg6 : memref<128x128xf32, #tpu.memory_space<vmem>>) target(%dma_start3A_132 : memref<128x128xf32, #tpu.memory_space<hbm>>) target_semaphore(%run_scoped3A : memref<!tpu.dma_semaphore, #tpu.memory_space<semaphore_mem>>)
      %dma_wait3A_133 = arith.constant 0 : i32
      %dma_wait3A_134 = tpu.memref_slice %arg4[%add3A_34, %dma_wait3A_133] : memref<65536x128xf32, #tpu.memory_space<hbm>> -> memref<128x128xf32, #tpu.memory_space<hbm>>
      %dma_wait3A_135 = arith.constant 0 : i32
      %dma_wait3A_136 = tpu.memref_slice %arg4[%add3A_34, %dma_wait3A_135] : memref<65536x128xf32, #tpu.memory_space<hbm>> -> memref<128x128xf32, #tpu.memory_space<hbm>>
      tpu.wait_dma2 semaphore(%run_scoped3A : memref<!tpu.dma_semaphore, #tpu.memory_space<semaphore_mem>>) src(%arg6 : memref<128x128xf32, #tpu.memory_space<vmem>>) dst(%dma_wait3A_136 : memref<128x128xf32, #tpu.memory_space<hbm>>)
      tpu.yield
    }) : () -> ()
    %add3A_41 = arith.constant 640 : i32
    %add3A_42 = arith.addi %mul3A_2, %add3A_41 : i32
    "tpu.region"() ({
      %run_scoped3A = tpu.sem_alloc : memref<!tpu.dma_semaphore, #tpu.memory_space<semaphore_mem>>
      %dma_start3A_129 = tpu.memref_slice %arg2[%add3A_42] : memref<65536xi32, #tpu.memory_space<hbm>> -> memref<128xi32, #tpu.memory_space<hbm>>
      %dma_start3A_130 = tpu.memref_slice %arg2[%add3A_42] : memref<65536xi32, #tpu.memory_space<hbm>> -> memref<128xi32, #tpu.memory_space<hbm>>
      tpu.enqueue_dma source(%dma_start3A_130 : memref<128xi32, #tpu.memory_space<hbm>>) target(%arg5 : memref<128xi32, #tpu.memory_space<vmem>>) target_semaphore(%run_scoped3A : memref<!tpu.dma_semaphore, #tpu.memory_space<semaphore_mem>>)
      %dma_wait3A_131 = tpu.memref_slice %arg2[%add3A_42] : memref<65536xi32, #tpu.memory_space<hbm>> -> memref<128xi32, #tpu.memory_space<hbm>>
      %dma_wait3A_132 = tpu.memref_slice %arg2[%add3A_42] : memref<65536xi32, #tpu.memory_space<hbm>> -> memref<128xi32, #tpu.memory_space<hbm>>
      tpu.wait_dma2 semaphore(%run_scoped3A : memref<!tpu.dma_semaphore, #tpu.memory_space<semaphore_mem>>) src(%dma_wait3A_132 : memref<128xi32, #tpu.memory_space<hbm>>) dst(%arg5 : memref<128xi32, #tpu.memory_space<vmem>>)
      tpu.yield
    }) : () -> ()
    %dma_start3A_43 = arith.constant 0 : i32
    %dma_start3A_44 = arith.constant 0 : i32
    %dma_start3A_45 = tpu.memref_slice %arg3[%dma_start3A_43, %dma_start3A_44] : memref<100000x128xf32, #tpu.memory_space<hbm>> -> memref<100000x128xf32, #tpu.memory_space<hbm>>
    tpu.enqueue_indirect_dma source(%dma_start3A_45 : memref<100000x128xf32, #tpu.memory_space<hbm>>) target(%arg6 : memref<128x128xf32, #tpu.memory_space<vmem>>) offsets(%arg5 : memref<128xi32, #tpu.memory_space<vmem>>) semaphore(%arg7 : memref<!tpu.dma_semaphore, #tpu.memory_space<semaphore_mem>>)
    %dma_wait3A_46 = arith.constant 0 : i32
    %dma_wait3A_47 = arith.constant 0 : i32
    %dma_wait3A_48 = tpu.memref_slice %arg3[%dma_wait3A_46, %dma_wait3A_47] : memref<100000x128xf32, #tpu.memory_space<hbm>> -> memref<100000x128xf32, #tpu.memory_space<hbm>>
    tpu.wait_indirect_dma semaphore(%arg7 : memref<!tpu.dma_semaphore, #tpu.memory_space<semaphore_mem>>) src(%dma_wait3A_48 : memref<100000x128xf32, #tpu.memory_space<hbm>>) dst(%arg6 : memref<128x128xf32, #tpu.memory_space<vmem>>)
    "tpu.region"() ({
      %run_scoped3A = tpu.sem_alloc : memref<!tpu.dma_semaphore, #tpu.memory_space<semaphore_mem>>
      %dma_start3A_129 = arith.constant 0 : i32
      %dma_start3A_130 = tpu.memref_slice %arg4[%add3A_42, %dma_start3A_129] : memref<65536x128xf32, #tpu.memory_space<hbm>> -> memref<128x128xf32, #tpu.memory_space<hbm>>
      %dma_start3A_131 = arith.constant 0 : i32
      %dma_start3A_132 = tpu.memref_slice %arg4[%add3A_42, %dma_start3A_131] : memref<65536x128xf32, #tpu.memory_space<hbm>> -> memref<128x128xf32, #tpu.memory_space<hbm>>
      tpu.enqueue_dma source(%arg6 : memref<128x128xf32, #tpu.memory_space<vmem>>) target(%dma_start3A_132 : memref<128x128xf32, #tpu.memory_space<hbm>>) target_semaphore(%run_scoped3A : memref<!tpu.dma_semaphore, #tpu.memory_space<semaphore_mem>>)
      %dma_wait3A_133 = arith.constant 0 : i32
      %dma_wait3A_134 = tpu.memref_slice %arg4[%add3A_42, %dma_wait3A_133] : memref<65536x128xf32, #tpu.memory_space<hbm>> -> memref<128x128xf32, #tpu.memory_space<hbm>>
      %dma_wait3A_135 = arith.constant 0 : i32
      %dma_wait3A_136 = tpu.memref_slice %arg4[%add3A_42, %dma_wait3A_135] : memref<65536x128xf32, #tpu.memory_space<hbm>> -> memref<128x128xf32, #tpu.memory_space<hbm>>
      tpu.wait_dma2 semaphore(%run_scoped3A : memref<!tpu.dma_semaphore, #tpu.memory_space<semaphore_mem>>) src(%arg6 : memref<128x128xf32, #tpu.memory_space<vmem>>) dst(%dma_wait3A_136 : memref<128x128xf32, #tpu.memory_space<hbm>>)
      tpu.yield
    }) : () -> ()
    %add3A_49 = arith.constant 768 : i32
    %add3A_50 = arith.addi %mul3A_2, %add3A_49 : i32
    "tpu.region"() ({
      %run_scoped3A = tpu.sem_alloc : memref<!tpu.dma_semaphore, #tpu.memory_space<semaphore_mem>>
      %dma_start3A_129 = tpu.memref_slice %arg2[%add3A_50] : memref<65536xi32, #tpu.memory_space<hbm>> -> memref<128xi32, #tpu.memory_space<hbm>>
      %dma_start3A_130 = tpu.memref_slice %arg2[%add3A_50] : memref<65536xi32, #tpu.memory_space<hbm>> -> memref<128xi32, #tpu.memory_space<hbm>>
      tpu.enqueue_dma source(%dma_start3A_130 : memref<128xi32, #tpu.memory_space<hbm>>) target(%arg5 : memref<128xi32, #tpu.memory_space<vmem>>) target_semaphore(%run_scoped3A : memref<!tpu.dma_semaphore, #tpu.memory_space<semaphore_mem>>)
      %dma_wait3A_131 = tpu.memref_slice %arg2[%add3A_50] : memref<65536xi32, #tpu.memory_space<hbm>> -> memref<128xi32, #tpu.memory_space<hbm>>
      %dma_wait3A_132 = tpu.memref_slice %arg2[%add3A_50] : memref<65536xi32, #tpu.memory_space<hbm>> -> memref<128xi32, #tpu.memory_space<hbm>>
      tpu.wait_dma2 semaphore(%run_scoped3A : memref<!tpu.dma_semaphore, #tpu.memory_space<semaphore_mem>>) src(%dma_wait3A_132 : memref<128xi32, #tpu.memory_space<hbm>>) dst(%arg5 : memref<128xi32, #tpu.memory_space<vmem>>)
      tpu.yield
    }) : () -> ()
    %dma_start3A_51 = arith.constant 0 : i32
    %dma_start3A_52 = arith.constant 0 : i32
    %dma_start3A_53 = tpu.memref_slice %arg3[%dma_start3A_51, %dma_start3A_52] : memref<100000x128xf32, #tpu.memory_space<hbm>> -> memref<100000x128xf32, #tpu.memory_space<hbm>>
    tpu.enqueue_indirect_dma source(%dma_start3A_53 : memref<100000x128xf32, #tpu.memory_space<hbm>>) target(%arg6 : memref<128x128xf32, #tpu.memory_space<vmem>>) offsets(%arg5 : memref<128xi32, #tpu.memory_space<vmem>>) semaphore(%arg7 : memref<!tpu.dma_semaphore, #tpu.memory_space<semaphore_mem>>)
    %dma_wait3A_54 = arith.constant 0 : i32
    %dma_wait3A_55 = arith.constant 0 : i32
    %dma_wait3A_56 = tpu.memref_slice %arg3[%dma_wait3A_54, %dma_wait3A_55] : memref<100000x128xf32, #tpu.memory_space<hbm>> -> memref<100000x128xf32, #tpu.memory_space<hbm>>
    tpu.wait_indirect_dma semaphore(%arg7 : memref<!tpu.dma_semaphore, #tpu.memory_space<semaphore_mem>>) src(%dma_wait3A_56 : memref<100000x128xf32, #tpu.memory_space<hbm>>) dst(%arg6 : memref<128x128xf32, #tpu.memory_space<vmem>>)
    "tpu.region"() ({
      %run_scoped3A = tpu.sem_alloc : memref<!tpu.dma_semaphore, #tpu.memory_space<semaphore_mem>>
      %dma_start3A_129 = arith.constant 0 : i32
      %dma_start3A_130 = tpu.memref_slice %arg4[%add3A_50, %dma_start3A_129] : memref<65536x128xf32, #tpu.memory_space<hbm>> -> memref<128x128xf32, #tpu.memory_space<hbm>>
      %dma_start3A_131 = arith.constant 0 : i32
      %dma_start3A_132 = tpu.memref_slice %arg4[%add3A_50, %dma_start3A_131] : memref<65536x128xf32, #tpu.memory_space<hbm>> -> memref<128x128xf32, #tpu.memory_space<hbm>>
      tpu.enqueue_dma source(%arg6 : memref<128x128xf32, #tpu.memory_space<vmem>>) target(%dma_start3A_132 : memref<128x128xf32, #tpu.memory_space<hbm>>) target_semaphore(%run_scoped3A : memref<!tpu.dma_semaphore, #tpu.memory_space<semaphore_mem>>)
      %dma_wait3A_133 = arith.constant 0 : i32
      %dma_wait3A_134 = tpu.memref_slice %arg4[%add3A_50, %dma_wait3A_133] : memref<65536x128xf32, #tpu.memory_space<hbm>> -> memref<128x128xf32, #tpu.memory_space<hbm>>
      %dma_wait3A_135 = arith.constant 0 : i32
      %dma_wait3A_136 = tpu.memref_slice %arg4[%add3A_50, %dma_wait3A_135] : memref<65536x128xf32, #tpu.memory_space<hbm>> -> memref<128x128xf32, #tpu.memory_space<hbm>>
      tpu.wait_dma2 semaphore(%run_scoped3A : memref<!tpu.dma_semaphore, #tpu.memory_space<semaphore_mem>>) src(%arg6 : memref<128x128xf32, #tpu.memory_space<vmem>>) dst(%dma_wait3A_136 : memref<128x128xf32, #tpu.memory_space<hbm>>)
      tpu.yield
    }) : () -> ()
    %add3A_57 = arith.constant 896 : i32
    %add3A_58 = arith.addi %mul3A_2, %add3A_57 : i32
    "tpu.region"() ({
      %run_scoped3A = tpu.sem_alloc : memref<!tpu.dma_semaphore, #tpu.memory_space<semaphore_mem>>
      %dma_start3A_129 = tpu.memref_slice %arg2[%add3A_58] : memref<65536xi32, #tpu.memory_space<hbm>> -> memref<128xi32, #tpu.memory_space<hbm>>
      %dma_start3A_130 = tpu.memref_slice %arg2[%add3A_58] : memref<65536xi32, #tpu.memory_space<hbm>> -> memref<128xi32, #tpu.memory_space<hbm>>
      tpu.enqueue_dma source(%dma_start3A_130 : memref<128xi32, #tpu.memory_space<hbm>>) target(%arg5 : memref<128xi32, #tpu.memory_space<vmem>>) target_semaphore(%run_scoped3A : memref<!tpu.dma_semaphore, #tpu.memory_space<semaphore_mem>>)
      %dma_wait3A_131 = tpu.memref_slice %arg2[%add3A_58] : memref<65536xi32, #tpu.memory_space<hbm>> -> memref<128xi32, #tpu.memory_space<hbm>>
      %dma_wait3A_132 = tpu.memref_slice %arg2[%add3A_58] : memref<65536xi32, #tpu.memory_space<hbm>> -> memref<128xi32, #tpu.memory_space<hbm>>
      tpu.wait_dma2 semaphore(%run_scoped3A : memref<!tpu.dma_semaphore, #tpu.memory_space<semaphore_mem>>) src(%dma_wait3A_132 : memref<128xi32, #tpu.memory_space<hbm>>) dst(%arg5 : memref<128xi32, #tpu.memory_space<vmem>>)
      tpu.yield
    }) : () -> ()
    %dma_start3A_59 = arith.constant 0 : i32
    %dma_start3A_60 = arith.constant 0 : i32
    %dma_start3A_61 = tpu.memref_slice %arg3[%dma_start3A_59, %dma_start3A_60] : memref<100000x128xf32, #tpu.memory_space<hbm>> -> memref<100000x128xf32, #tpu.memory_space<hbm>>
    tpu.enqueue_indirect_dma source(%dma_start3A_61 : memref<100000x128xf32, #tpu.memory_space<hbm>>) target(%arg6 : memref<128x128xf32, #tpu.memory_space<vmem>>) offsets(%arg5 : memref<128xi32, #tpu.memory_space<vmem>>) semaphore(%arg7 : memref<!tpu.dma_semaphore, #tpu.memory_space<semaphore_mem>>)
    %dma_wait3A_62 = arith.constant 0 : i32
    %dma_wait3A_63 = arith.constant 0 : i32
    %dma_wait3A_64 = tpu.memref_slice %arg3[%dma_wait3A_62, %dma_wait3A_63] : memref<100000x128xf32, #tpu.memory_space<hbm>> -> memref<100000x128xf32, #tpu.memory_space<hbm>>
    tpu.wait_indirect_dma semaphore(%arg7 : memref<!tpu.dma_semaphore, #tpu.memory_space<semaphore_mem>>) src(%dma_wait3A_64 : memref<100000x128xf32, #tpu.memory_space<hbm>>) dst(%arg6 : memref<128x128xf32, #tpu.memory_space<vmem>>)
    "tpu.region"() ({
      %run_scoped3A = tpu.sem_alloc : memref<!tpu.dma_semaphore, #tpu.memory_space<semaphore_mem>>
      %dma_start3A_129 = arith.constant 0 : i32
      %dma_start3A_130 = tpu.memref_slice %arg4[%add3A_58, %dma_start3A_129] : memref<65536x128xf32, #tpu.memory_space<hbm>> -> memref<128x128xf32, #tpu.memory_space<hbm>>
      %dma_start3A_131 = arith.constant 0 : i32
      %dma_start3A_132 = tpu.memref_slice %arg4[%add3A_58, %dma_start3A_131] : memref<65536x128xf32, #tpu.memory_space<hbm>> -> memref<128x128xf32, #tpu.memory_space<hbm>>
      tpu.enqueue_dma source(%arg6 : memref<128x128xf32, #tpu.memory_space<vmem>>) target(%dma_start3A_132 : memref<128x128xf32, #tpu.memory_space<hbm>>) target_semaphore(%run_scoped3A : memref<!tpu.dma_semaphore, #tpu.memory_space<semaphore_mem>>)
      %dma_wait3A_133 = arith.constant 0 : i32
      %dma_wait3A_134 = tpu.memref_slice %arg4[%add3A_58, %dma_wait3A_133] : memref<65536x128xf32, #tpu.memory_space<hbm>> -> memref<128x128xf32, #tpu.memory_space<hbm>>
      %dma_wait3A_135 = arith.constant 0 : i32
      %dma_wait3A_136 = tpu.memref_slice %arg4[%add3A_58, %dma_wait3A_135] : memref<65536x128xf32, #tpu.memory_space<hbm>> -> memref<128x128xf32, #tpu.memory_space<hbm>>
      tpu.wait_dma2 semaphore(%run_scoped3A : memref<!tpu.dma_semaphore, #tpu.memory_space<semaphore_mem>>) src(%arg6 : memref<128x128xf32, #tpu.memory_space<vmem>>) dst(%dma_wait3A_136 : memref<128x128xf32, #tpu.memory_space<hbm>>)
      tpu.yield
    }) : () -> ()
    %add3A_65 = arith.constant 1024 : i32
    %add3A_66 = arith.addi %mul3A_2, %add3A_65 : i32
    "tpu.region"() ({
      %run_scoped3A = tpu.sem_alloc : memref<!tpu.dma_semaphore, #tpu.memory_space<semaphore_mem>>
      %dma_start3A_129 = tpu.memref_slice %arg2[%add3A_66] : memref<65536xi32, #tpu.memory_space<hbm>> -> memref<128xi32, #tpu.memory_space<hbm>>
      %dma_start3A_130 = tpu.memref_slice %arg2[%add3A_66] : memref<65536xi32, #tpu.memory_space<hbm>> -> memref<128xi32, #tpu.memory_space<hbm>>
      tpu.enqueue_dma source(%dma_start3A_130 : memref<128xi32, #tpu.memory_space<hbm>>) target(%arg5 : memref<128xi32, #tpu.memory_space<vmem>>) target_semaphore(%run_scoped3A : memref<!tpu.dma_semaphore, #tpu.memory_space<semaphore_mem>>)
      %dma_wait3A_131 = tpu.memref_slice %arg2[%add3A_66] : memref<65536xi32, #tpu.memory_space<hbm>> -> memref<128xi32, #tpu.memory_space<hbm>>
      %dma_wait3A_132 = tpu.memref_slice %arg2[%add3A_66] : memref<65536xi32, #tpu.memory_space<hbm>> -> memref<128xi32, #tpu.memory_space<hbm>>
      tpu.wait_dma2 semaphore(%run_scoped3A : memref<!tpu.dma_semaphore, #tpu.memory_space<semaphore_mem>>) src(%dma_wait3A_132 : memref<128xi32, #tpu.memory_space<hbm>>) dst(%arg5 : memref<128xi32, #tpu.memory_space<vmem>>)
      tpu.yield
    }) : () -> ()
    %dma_start3A_67 = arith.constant 0 : i32
    %dma_start3A_68 = arith.constant 0 : i32
    %dma_start3A_69 = tpu.memref_slice %arg3[%dma_start3A_67, %dma_start3A_68] : memref<100000x128xf32, #tpu.memory_space<hbm>> -> memref<100000x128xf32, #tpu.memory_space<hbm>>
    tpu.enqueue_indirect_dma source(%dma_start3A_69 : memref<100000x128xf32, #tpu.memory_space<hbm>>) target(%arg6 : memref<128x128xf32, #tpu.memory_space<vmem>>) offsets(%arg5 : memref<128xi32, #tpu.memory_space<vmem>>) semaphore(%arg7 : memref<!tpu.dma_semaphore, #tpu.memory_space<semaphore_mem>>)
    %dma_wait3A_70 = arith.constant 0 : i32
    %dma_wait3A_71 = arith.constant 0 : i32
    %dma_wait3A_72 = tpu.memref_slice %arg3[%dma_wait3A_70, %dma_wait3A_71] : memref<100000x128xf32, #tpu.memory_space<hbm>> -> memref<100000x128xf32, #tpu.memory_space<hbm>>
    tpu.wait_indirect_dma semaphore(%arg7 : memref<!tpu.dma_semaphore, #tpu.memory_space<semaphore_mem>>) src(%dma_wait3A_72 : memref<100000x128xf32, #tpu.memory_space<hbm>>) dst(%arg6 : memref<128x128xf32, #tpu.memory_space<vmem>>)
    "tpu.region"() ({
      %run_scoped3A = tpu.sem_alloc : memref<!tpu.dma_semaphore, #tpu.memory_space<semaphore_mem>>
      %dma_start3A_129 = arith.constant 0 : i32
      %dma_start3A_130 = tpu.memref_slice %arg4[%add3A_66, %dma_start3A_129] : memref<65536x128xf32, #tpu.memory_space<hbm>> -> memref<128x128xf32, #tpu.memory_space<hbm>>
      %dma_start3A_131 = arith.constant 0 : i32
      %dma_start3A_132 = tpu.memref_slice %arg4[%add3A_66, %dma_start3A_131] : memref<65536x128xf32, #tpu.memory_space<hbm>> -> memref<128x128xf32, #tpu.memory_space<hbm>>
      tpu.enqueue_dma source(%arg6 : memref<128x128xf32, #tpu.memory_space<vmem>>) target(%dma_start3A_132 : memref<128x128xf32, #tpu.memory_space<hbm>>) target_semaphore(%run_scoped3A : memref<!tpu.dma_semaphore, #tpu.memory_space<semaphore_mem>>)
      %dma_wait3A_133 = arith.constant 0 : i32
      %dma_wait3A_134 = tpu.memref_slice %arg4[%add3A_66, %dma_wait3A_133] : memref<65536x128xf32, #tpu.memory_space<hbm>> -> memref<128x128xf32, #tpu.memory_space<hbm>>
      %dma_wait3A_135 = arith.constant 0 : i32
      %dma_wait3A_136 = tpu.memref_slice %arg4[%add3A_66, %dma_wait3A_135] : memref<65536x128xf32, #tpu.memory_space<hbm>> -> memref<128x128xf32, #tpu.memory_space<hbm>>
      tpu.wait_dma2 semaphore(%run_scoped3A : memref<!tpu.dma_semaphore, #tpu.memory_space<semaphore_mem>>) src(%arg6 : memref<128x128xf32, #tpu.memory_space<vmem>>) dst(%dma_wait3A_136 : memref<128x128xf32, #tpu.memory_space<hbm>>)
      tpu.yield
    }) : () -> ()
    %add3A_73 = arith.constant 1152 : i32
    %add3A_74 = arith.addi %mul3A_2, %add3A_73 : i32
    "tpu.region"() ({
      %run_scoped3A = tpu.sem_alloc : memref<!tpu.dma_semaphore, #tpu.memory_space<semaphore_mem>>
      %dma_start3A_129 = tpu.memref_slice %arg2[%add3A_74] : memref<65536xi32, #tpu.memory_space<hbm>> -> memref<128xi32, #tpu.memory_space<hbm>>
      %dma_start3A_130 = tpu.memref_slice %arg2[%add3A_74] : memref<65536xi32, #tpu.memory_space<hbm>> -> memref<128xi32, #tpu.memory_space<hbm>>
      tpu.enqueue_dma source(%dma_start3A_130 : memref<128xi32, #tpu.memory_space<hbm>>) target(%arg5 : memref<128xi32, #tpu.memory_space<vmem>>) target_semaphore(%run_scoped3A : memref<!tpu.dma_semaphore, #tpu.memory_space<semaphore_mem>>)
      %dma_wait3A_131 = tpu.memref_slice %arg2[%add3A_74] : memref<65536xi32, #tpu.memory_space<hbm>> -> memref<128xi32, #tpu.memory_space<hbm>>
      %dma_wait3A_132 = tpu.memref_slice %arg2[%add3A_74] : memref<65536xi32, #tpu.memory_space<hbm>> -> memref<128xi32, #tpu.memory_space<hbm>>
      tpu.wait_dma2 semaphore(%run_scoped3A : memref<!tpu.dma_semaphore, #tpu.memory_space<semaphore_mem>>) src(%dma_wait3A_132 : memref<128xi32, #tpu.memory_space<hbm>>) dst(%arg5 : memref<128xi32, #tpu.memory_space<vmem>>)
      tpu.yield
    }) : () -> ()
    %dma_start3A_75 = arith.constant 0 : i32
    %dma_start3A_76 = arith.constant 0 : i32
    %dma_start3A_77 = tpu.memref_slice %arg3[%dma_start3A_75, %dma_start3A_76] : memref<100000x128xf32, #tpu.memory_space<hbm>> -> memref<100000x128xf32, #tpu.memory_space<hbm>>
    tpu.enqueue_indirect_dma source(%dma_start3A_77 : memref<100000x128xf32, #tpu.memory_space<hbm>>) target(%arg6 : memref<128x128xf32, #tpu.memory_space<vmem>>) offsets(%arg5 : memref<128xi32, #tpu.memory_space<vmem>>) semaphore(%arg7 : memref<!tpu.dma_semaphore, #tpu.memory_space<semaphore_mem>>)
    %dma_wait3A_78 = arith.constant 0 : i32
    %dma_wait3A_79 = arith.constant 0 : i32
    %dma_wait3A_80 = tpu.memref_slice %arg3[%dma_wait3A_78, %dma_wait3A_79] : memref<100000x128xf32, #tpu.memory_space<hbm>> -> memref<100000x128xf32, #tpu.memory_space<hbm>>
    tpu.wait_indirect_dma semaphore(%arg7 : memref<!tpu.dma_semaphore, #tpu.memory_space<semaphore_mem>>) src(%dma_wait3A_80 : memref<100000x128xf32, #tpu.memory_space<hbm>>) dst(%arg6 : memref<128x128xf32, #tpu.memory_space<vmem>>)
    "tpu.region"() ({
      %run_scoped3A = tpu.sem_alloc : memref<!tpu.dma_semaphore, #tpu.memory_space<semaphore_mem>>
      %dma_start3A_129 = arith.constant 0 : i32
      %dma_start3A_130 = tpu.memref_slice %arg4[%add3A_74, %dma_start3A_129] : memref<65536x128xf32, #tpu.memory_space<hbm>> -> memref<128x128xf32, #tpu.memory_space<hbm>>
      %dma_start3A_131 = arith.constant 0 : i32
      %dma_start3A_132 = tpu.memref_slice %arg4[%add3A_74, %dma_start3A_131] : memref<65536x128xf32, #tpu.memory_space<hbm>> -> memref<128x128xf32, #tpu.memory_space<hbm>>
      tpu.enqueue_dma source(%arg6 : memref<128x128xf32, #tpu.memory_space<vmem>>) target(%dma_start3A_132 : memref<128x128xf32, #tpu.memory_space<hbm>>) target_semaphore(%run_scoped3A : memref<!tpu.dma_semaphore, #tpu.memory_space<semaphore_mem>>)
      %dma_wait3A_133 = arith.constant 0 : i32
      %dma_wait3A_134 = tpu.memref_slice %arg4[%add3A_74, %dma_wait3A_133] : memref<65536x128xf32, #tpu.memory_space<hbm>> -> memref<128x128xf32, #tpu.memory_space<hbm>>
      %dma_wait3A_135 = arith.constant 0 : i32
      %dma_wait3A_136 = tpu.memref_slice %arg4[%add3A_74, %dma_wait3A_135] : memref<65536x128xf32, #tpu.memory_space<hbm>> -> memref<128x128xf32, #tpu.memory_space<hbm>>
      tpu.wait_dma2 semaphore(%run_scoped3A : memref<!tpu.dma_semaphore, #tpu.memory_space<semaphore_mem>>) src(%arg6 : memref<128x128xf32, #tpu.memory_space<vmem>>) dst(%dma_wait3A_136 : memref<128x128xf32, #tpu.memory_space<hbm>>)
      tpu.yield
    }) : () -> ()
    %add3A_81 = arith.constant 1280 : i32
    %add3A_82 = arith.addi %mul3A_2, %add3A_81 : i32
    "tpu.region"() ({
      %run_scoped3A = tpu.sem_alloc : memref<!tpu.dma_semaphore, #tpu.memory_space<semaphore_mem>>
      %dma_start3A_129 = tpu.memref_slice %arg2[%add3A_82] : memref<65536xi32, #tpu.memory_space<hbm>> -> memref<128xi32, #tpu.memory_space<hbm>>
      %dma_start3A_130 = tpu.memref_slice %arg2[%add3A_82] : memref<65536xi32, #tpu.memory_space<hbm>> -> memref<128xi32, #tpu.memory_space<hbm>>
      tpu.enqueue_dma source(%dma_start3A_130 : memref<128xi32, #tpu.memory_space<hbm>>) target(%arg5 : memref<128xi32, #tpu.memory_space<vmem>>) target_semaphore(%run_scoped3A : memref<!tpu.dma_semaphore, #tpu.memory_space<semaphore_mem>>)
      %dma_wait3A_131 = tpu.memref_slice %arg2[%add3A_82] : memref<65536xi32, #tpu.memory_space<hbm>> -> memref<128xi32, #tpu.memory_space<hbm>>
      %dma_wait3A_132 = tpu.memref_slice %arg2[%add3A_82] : memref<65536xi32, #tpu.memory_space<hbm>> -> memref<128xi32, #tpu.memory_space<hbm>>
      tpu.wait_dma2 semaphore(%run_scoped3A : memref<!tpu.dma_semaphore, #tpu.memory_space<semaphore_mem>>) src(%dma_wait3A_132 : memref<128xi32, #tpu.memory_space<hbm>>) dst(%arg5 : memref<128xi32, #tpu.memory_space<vmem>>)
      tpu.yield
    }) : () -> ()
    %dma_start3A_83 = arith.constant 0 : i32
    %dma_start3A_84 = arith.constant 0 : i32
    %dma_start3A_85 = tpu.memref_slice %arg3[%dma_start3A_83, %dma_start3A_84] : memref<100000x128xf32, #tpu.memory_space<hbm>> -> memref<100000x128xf32, #tpu.memory_space<hbm>>
    tpu.enqueue_indirect_dma source(%dma_start3A_85 : memref<100000x128xf32, #tpu.memory_space<hbm>>) target(%arg6 : memref<128x128xf32, #tpu.memory_space<vmem>>) offsets(%arg5 : memref<128xi32, #tpu.memory_space<vmem>>) semaphore(%arg7 : memref<!tpu.dma_semaphore, #tpu.memory_space<semaphore_mem>>)
    %dma_wait3A_86 = arith.constant 0 : i32
    %dma_wait3A_87 = arith.constant 0 : i32
    %dma_wait3A_88 = tpu.memref_slice %arg3[%dma_wait3A_86, %dma_wait3A_87] : memref<100000x128xf32, #tpu.memory_space<hbm>> -> memref<100000x128xf32, #tpu.memory_space<hbm>>
    tpu.wait_indirect_dma semaphore(%arg7 : memref<!tpu.dma_semaphore, #tpu.memory_space<semaphore_mem>>) src(%dma_wait3A_88 : memref<100000x128xf32, #tpu.memory_space<hbm>>) dst(%arg6 : memref<128x128xf32, #tpu.memory_space<vmem>>)
    "tpu.region"() ({
      %run_scoped3A = tpu.sem_alloc : memref<!tpu.dma_semaphore, #tpu.memory_space<semaphore_mem>>
      %dma_start3A_129 = arith.constant 0 : i32
      %dma_start3A_130 = tpu.memref_slice %arg4[%add3A_82, %dma_start3A_129] : memref<65536x128xf32, #tpu.memory_space<hbm>> -> memref<128x128xf32, #tpu.memory_space<hbm>>
      %dma_start3A_131 = arith.constant 0 : i32
      %dma_start3A_132 = tpu.memref_slice %arg4[%add3A_82, %dma_start3A_131] : memref<65536x128xf32, #tpu.memory_space<hbm>> -> memref<128x128xf32, #tpu.memory_space<hbm>>
      tpu.enqueue_dma source(%arg6 : memref<128x128xf32, #tpu.memory_space<vmem>>) target(%dma_start3A_132 : memref<128x128xf32, #tpu.memory_space<hbm>>) target_semaphore(%run_scoped3A : memref<!tpu.dma_semaphore, #tpu.memory_space<semaphore_mem>>)
      %dma_wait3A_133 = arith.constant 0 : i32
      %dma_wait3A_134 = tpu.memref_slice %arg4[%add3A_82, %dma_wait3A_133] : memref<65536x128xf32, #tpu.memory_space<hbm>> -> memref<128x128xf32, #tpu.memory_space<hbm>>
      %dma_wait3A_135 = arith.constant 0 : i32
      %dma_wait3A_136 = tpu.memref_slice %arg4[%add3A_82, %dma_wait3A_135] : memref<65536x128xf32, #tpu.memory_space<hbm>> -> memref<128x128xf32, #tpu.memory_space<hbm>>
      tpu.wait_dma2 semaphore(%run_scoped3A : memref<!tpu.dma_semaphore, #tpu.memory_space<semaphore_mem>>) src(%arg6 : memref<128x128xf32, #tpu.memory_space<vmem>>) dst(%dma_wait3A_136 : memref<128x128xf32, #tpu.memory_space<hbm>>)
      tpu.yield
    }) : () -> ()
    %add3A_89 = arith.constant 1408 : i32
    %add3A_90 = arith.addi %mul3A_2, %add3A_89 : i32
    "tpu.region"() ({
      %run_scoped3A = tpu.sem_alloc : memref<!tpu.dma_semaphore, #tpu.memory_space<semaphore_mem>>
      %dma_start3A_129 = tpu.memref_slice %arg2[%add3A_90] : memref<65536xi32, #tpu.memory_space<hbm>> -> memref<128xi32, #tpu.memory_space<hbm>>
      %dma_start3A_130 = tpu.memref_slice %arg2[%add3A_90] : memref<65536xi32, #tpu.memory_space<hbm>> -> memref<128xi32, #tpu.memory_space<hbm>>
      tpu.enqueue_dma source(%dma_start3A_130 : memref<128xi32, #tpu.memory_space<hbm>>) target(%arg5 : memref<128xi32, #tpu.memory_space<vmem>>) target_semaphore(%run_scoped3A : memref<!tpu.dma_semaphore, #tpu.memory_space<semaphore_mem>>)
      %dma_wait3A_131 = tpu.memref_slice %arg2[%add3A_90] : memref<65536xi32, #tpu.memory_space<hbm>> -> memref<128xi32, #tpu.memory_space<hbm>>
      %dma_wait3A_132 = tpu.memref_slice %arg2[%add3A_90] : memref<65536xi32, #tpu.memory_space<hbm>> -> memref<128xi32, #tpu.memory_space<hbm>>
      tpu.wait_dma2 semaphore(%run_scoped3A : memref<!tpu.dma_semaphore, #tpu.memory_space<semaphore_mem>>) src(%dma_wait3A_132 : memref<128xi32, #tpu.memory_space<hbm>>) dst(%arg5 : memref<128xi32, #tpu.memory_space<vmem>>)
      tpu.yield
    }) : () -> ()
    %dma_start3A_91 = arith.constant 0 : i32
    %dma_start3A_92 = arith.constant 0 : i32
    %dma_start3A_93 = tpu.memref_slice %arg3[%dma_start3A_91, %dma_start3A_92] : memref<100000x128xf32, #tpu.memory_space<hbm>> -> memref<100000x128xf32, #tpu.memory_space<hbm>>
    tpu.enqueue_indirect_dma source(%dma_start3A_93 : memref<100000x128xf32, #tpu.memory_space<hbm>>) target(%arg6 : memref<128x128xf32, #tpu.memory_space<vmem>>) offsets(%arg5 : memref<128xi32, #tpu.memory_space<vmem>>) semaphore(%arg7 : memref<!tpu.dma_semaphore, #tpu.memory_space<semaphore_mem>>)
    %dma_wait3A_94 = arith.constant 0 : i32
    %dma_wait3A_95 = arith.constant 0 : i32
    %dma_wait3A_96 = tpu.memref_slice %arg3[%dma_wait3A_94, %dma_wait3A_95] : memref<100000x128xf32, #tpu.memory_space<hbm>> -> memref<100000x128xf32, #tpu.memory_space<hbm>>
    tpu.wait_indirect_dma semaphore(%arg7 : memref<!tpu.dma_semaphore, #tpu.memory_space<semaphore_mem>>) src(%dma_wait3A_96 : memref<100000x128xf32, #tpu.memory_space<hbm>>) dst(%arg6 : memref<128x128xf32, #tpu.memory_space<vmem>>)
    "tpu.region"() ({
      %run_scoped3A = tpu.sem_alloc : memref<!tpu.dma_semaphore, #tpu.memory_space<semaphore_mem>>
      %dma_start3A_129 = arith.constant 0 : i32
      %dma_start3A_130 = tpu.memref_slice %arg4[%add3A_90, %dma_start3A_129] : memref<65536x128xf32, #tpu.memory_space<hbm>> -> memref<128x128xf32, #tpu.memory_space<hbm>>
      %dma_start3A_131 = arith.constant 0 : i32
      %dma_start3A_132 = tpu.memref_slice %arg4[%add3A_90, %dma_start3A_131] : memref<65536x128xf32, #tpu.memory_space<hbm>> -> memref<128x128xf32, #tpu.memory_space<hbm>>
      tpu.enqueue_dma source(%arg6 : memref<128x128xf32, #tpu.memory_space<vmem>>) target(%dma_start3A_132 : memref<128x128xf32, #tpu.memory_space<hbm>>) target_semaphore(%run_scoped3A : memref<!tpu.dma_semaphore, #tpu.memory_space<semaphore_mem>>)
      %dma_wait3A_133 = arith.constant 0 : i32
      %dma_wait3A_134 = tpu.memref_slice %arg4[%add3A_90, %dma_wait3A_133] : memref<65536x128xf32, #tpu.memory_space<hbm>> -> memref<128x128xf32, #tpu.memory_space<hbm>>
      %dma_wait3A_135 = arith.constant 0 : i32
      %dma_wait3A_136 = tpu.memref_slice %arg4[%add3A_90, %dma_wait3A_135] : memref<65536x128xf32, #tpu.memory_space<hbm>> -> memref<128x128xf32, #tpu.memory_space<hbm>>
      tpu.wait_dma2 semaphore(%run_scoped3A : memref<!tpu.dma_semaphore, #tpu.memory_space<semaphore_mem>>) src(%arg6 : memref<128x128xf32, #tpu.memory_space<vmem>>) dst(%dma_wait3A_136 : memref<128x128xf32, #tpu.memory_space<hbm>>)
      tpu.yield
    }) : () -> ()
    %add3A_97 = arith.constant 1536 : i32
    %add3A_98 = arith.addi %mul3A_2, %add3A_97 : i32
    "tpu.region"() ({
      %run_scoped3A = tpu.sem_alloc : memref<!tpu.dma_semaphore, #tpu.memory_space<semaphore_mem>>
      %dma_start3A_129 = tpu.memref_slice %arg2[%add3A_98] : memref<65536xi32, #tpu.memory_space<hbm>> -> memref<128xi32, #tpu.memory_space<hbm>>
      %dma_start3A_130 = tpu.memref_slice %arg2[%add3A_98] : memref<65536xi32, #tpu.memory_space<hbm>> -> memref<128xi32, #tpu.memory_space<hbm>>
      tpu.enqueue_dma source(%dma_start3A_130 : memref<128xi32, #tpu.memory_space<hbm>>) target(%arg5 : memref<128xi32, #tpu.memory_space<vmem>>) target_semaphore(%run_scoped3A : memref<!tpu.dma_semaphore, #tpu.memory_space<semaphore_mem>>)
      %dma_wait3A_131 = tpu.memref_slice %arg2[%add3A_98] : memref<65536xi32, #tpu.memory_space<hbm>> -> memref<128xi32, #tpu.memory_space<hbm>>
      %dma_wait3A_132 = tpu.memref_slice %arg2[%add3A_98] : memref<65536xi32, #tpu.memory_space<hbm>> -> memref<128xi32, #tpu.memory_space<hbm>>
      tpu.wait_dma2 semaphore(%run_scoped3A : memref<!tpu.dma_semaphore, #tpu.memory_space<semaphore_mem>>) src(%dma_wait3A_132 : memref<128xi32, #tpu.memory_space<hbm>>) dst(%arg5 : memref<128xi32, #tpu.memory_space<vmem>>)
      tpu.yield
    }) : () -> ()
    %dma_start3A_99 = arith.constant 0 : i32
    %dma_start3A_100 = arith.constant 0 : i32
    %dma_start3A_101 = tpu.memref_slice %arg3[%dma_start3A_99, %dma_start3A_100] : memref<100000x128xf32, #tpu.memory_space<hbm>> -> memref<100000x128xf32, #tpu.memory_space<hbm>>
    tpu.enqueue_indirect_dma source(%dma_start3A_101 : memref<100000x128xf32, #tpu.memory_space<hbm>>) target(%arg6 : memref<128x128xf32, #tpu.memory_space<vmem>>) offsets(%arg5 : memref<128xi32, #tpu.memory_space<vmem>>) semaphore(%arg7 : memref<!tpu.dma_semaphore, #tpu.memory_space<semaphore_mem>>)
    %dma_wait3A_102 = arith.constant 0 : i32
    %dma_wait3A_103 = arith.constant 0 : i32
    %dma_wait3A_104 = tpu.memref_slice %arg3[%dma_wait3A_102, %dma_wait3A_103] : memref<100000x128xf32, #tpu.memory_space<hbm>> -> memref<100000x128xf32, #tpu.memory_space<hbm>>
    tpu.wait_indirect_dma semaphore(%arg7 : memref<!tpu.dma_semaphore, #tpu.memory_space<semaphore_mem>>) src(%dma_wait3A_104 : memref<100000x128xf32, #tpu.memory_space<hbm>>) dst(%arg6 : memref<128x128xf32, #tpu.memory_space<vmem>>)
    "tpu.region"() ({
      %run_scoped3A = tpu.sem_alloc : memref<!tpu.dma_semaphore, #tpu.memory_space<semaphore_mem>>
      %dma_start3A_129 = arith.constant 0 : i32
      %dma_start3A_130 = tpu.memref_slice %arg4[%add3A_98, %dma_start3A_129] : memref<65536x128xf32, #tpu.memory_space<hbm>> -> memref<128x128xf32, #tpu.memory_space<hbm>>
      %dma_start3A_131 = arith.constant 0 : i32
      %dma_start3A_132 = tpu.memref_slice %arg4[%add3A_98, %dma_start3A_131] : memref<65536x128xf32, #tpu.memory_space<hbm>> -> memref<128x128xf32, #tpu.memory_space<hbm>>
      tpu.enqueue_dma source(%arg6 : memref<128x128xf32, #tpu.memory_space<vmem>>) target(%dma_start3A_132 : memref<128x128xf32, #tpu.memory_space<hbm>>) target_semaphore(%run_scoped3A : memref<!tpu.dma_semaphore, #tpu.memory_space<semaphore_mem>>)
      %dma_wait3A_133 = arith.constant 0 : i32
      %dma_wait3A_134 = tpu.memref_slice %arg4[%add3A_98, %dma_wait3A_133] : memref<65536x128xf32, #tpu.memory_space<hbm>> -> memref<128x128xf32, #tpu.memory_space<hbm>>
      %dma_wait3A_135 = arith.constant 0 : i32
      %dma_wait3A_136 = tpu.memref_slice %arg4[%add3A_98, %dma_wait3A_135] : memref<65536x128xf32, #tpu.memory_space<hbm>> -> memref<128x128xf32, #tpu.memory_space<hbm>>
      tpu.wait_dma2 semaphore(%run_scoped3A : memref<!tpu.dma_semaphore, #tpu.memory_space<semaphore_mem>>) src(%arg6 : memref<128x128xf32, #tpu.memory_space<vmem>>) dst(%dma_wait3A_136 : memref<128x128xf32, #tpu.memory_space<hbm>>)
      tpu.yield
    }) : () -> ()
    %add3A_105 = arith.constant 1664 : i32
    %add3A_106 = arith.addi %mul3A_2, %add3A_105 : i32
    "tpu.region"() ({
      %run_scoped3A = tpu.sem_alloc : memref<!tpu.dma_semaphore, #tpu.memory_space<semaphore_mem>>
      %dma_start3A_129 = tpu.memref_slice %arg2[%add3A_106] : memref<65536xi32, #tpu.memory_space<hbm>> -> memref<128xi32, #tpu.memory_space<hbm>>
      %dma_start3A_130 = tpu.memref_slice %arg2[%add3A_106] : memref<65536xi32, #tpu.memory_space<hbm>> -> memref<128xi32, #tpu.memory_space<hbm>>
      tpu.enqueue_dma source(%dma_start3A_130 : memref<128xi32, #tpu.memory_space<hbm>>) target(%arg5 : memref<128xi32, #tpu.memory_space<vmem>>) target_semaphore(%run_scoped3A : memref<!tpu.dma_semaphore, #tpu.memory_space<semaphore_mem>>)
      %dma_wait3A_131 = tpu.memref_slice %arg2[%add3A_106] : memref<65536xi32, #tpu.memory_space<hbm>> -> memref<128xi32, #tpu.memory_space<hbm>>
      %dma_wait3A_132 = tpu.memref_slice %arg2[%add3A_106] : memref<65536xi32, #tpu.memory_space<hbm>> -> memref<128xi32, #tpu.memory_space<hbm>>
      tpu.wait_dma2 semaphore(%run_scoped3A : memref<!tpu.dma_semaphore, #tpu.memory_space<semaphore_mem>>) src(%dma_wait3A_132 : memref<128xi32, #tpu.memory_space<hbm>>) dst(%arg5 : memref<128xi32, #tpu.memory_space<vmem>>)
      tpu.yield
    }) : () -> ()
    %dma_start3A_107 = arith.constant 0 : i32
    %dma_start3A_108 = arith.constant 0 : i32
    %dma_start3A_109 = tpu.memref_slice %arg3[%dma_start3A_107, %dma_start3A_108] : memref<100000x128xf32, #tpu.memory_space<hbm>> -> memref<100000x128xf32, #tpu.memory_space<hbm>>
    tpu.enqueue_indirect_dma source(%dma_start3A_109 : memref<100000x128xf32, #tpu.memory_space<hbm>>) target(%arg6 : memref<128x128xf32, #tpu.memory_space<vmem>>) offsets(%arg5 : memref<128xi32, #tpu.memory_space<vmem>>) semaphore(%arg7 : memref<!tpu.dma_semaphore, #tpu.memory_space<semaphore_mem>>)
    %dma_wait3A_110 = arith.constant 0 : i32
    %dma_wait3A_111 = arith.constant 0 : i32
    %dma_wait3A_112 = tpu.memref_slice %arg3[%dma_wait3A_110, %dma_wait3A_111] : memref<100000x128xf32, #tpu.memory_space<hbm>> -> memref<100000x128xf32, #tpu.memory_space<hbm>>
    tpu.wait_indirect_dma semaphore(%arg7 : memref<!tpu.dma_semaphore, #tpu.memory_space<semaphore_mem>>) src(%dma_wait3A_112 : memref<100000x128xf32, #tpu.memory_space<hbm>>) dst(%arg6 : memref<128x128xf32, #tpu.memory_space<vmem>>)
    "tpu.region"() ({
      %run_scoped3A = tpu.sem_alloc : memref<!tpu.dma_semaphore, #tpu.memory_space<semaphore_mem>>
      %dma_start3A_129 = arith.constant 0 : i32
      %dma_start3A_130 = tpu.memref_slice %arg4[%add3A_106, %dma_start3A_129] : memref<65536x128xf32, #tpu.memory_space<hbm>> -> memref<128x128xf32, #tpu.memory_space<hbm>>
      %dma_start3A_131 = arith.constant 0 : i32
      %dma_start3A_132 = tpu.memref_slice %arg4[%add3A_106, %dma_start3A_131] : memref<65536x128xf32, #tpu.memory_space<hbm>> -> memref<128x128xf32, #tpu.memory_space<hbm>>
      tpu.enqueue_dma source(%arg6 : memref<128x128xf32, #tpu.memory_space<vmem>>) target(%dma_start3A_132 : memref<128x128xf32, #tpu.memory_space<hbm>>) target_semaphore(%run_scoped3A : memref<!tpu.dma_semaphore, #tpu.memory_space<semaphore_mem>>)
      %dma_wait3A_133 = arith.constant 0 : i32
      %dma_wait3A_134 = tpu.memref_slice %arg4[%add3A_106, %dma_wait3A_133] : memref<65536x128xf32, #tpu.memory_space<hbm>> -> memref<128x128xf32, #tpu.memory_space<hbm>>
      %dma_wait3A_135 = arith.constant 0 : i32
      %dma_wait3A_136 = tpu.memref_slice %arg4[%add3A_106, %dma_wait3A_135] : memref<65536x128xf32, #tpu.memory_space<hbm>> -> memref<128x128xf32, #tpu.memory_space<hbm>>
      tpu.wait_dma2 semaphore(%run_scoped3A : memref<!tpu.dma_semaphore, #tpu.memory_space<semaphore_mem>>) src(%arg6 : memref<128x128xf32, #tpu.memory_space<vmem>>) dst(%dma_wait3A_136 : memref<128x128xf32, #tpu.memory_space<hbm>>)
      tpu.yield
    }) : () -> ()
    %add3A_113 = arith.constant 1792 : i32
    %add3A_114 = arith.addi %mul3A_2, %add3A_113 : i32
    "tpu.region"() ({
      %run_scoped3A = tpu.sem_alloc : memref<!tpu.dma_semaphore, #tpu.memory_space<semaphore_mem>>
      %dma_start3A_129 = tpu.memref_slice %arg2[%add3A_114] : memref<65536xi32, #tpu.memory_space<hbm>> -> memref<128xi32, #tpu.memory_space<hbm>>
      %dma_start3A_130 = tpu.memref_slice %arg2[%add3A_114] : memref<65536xi32, #tpu.memory_space<hbm>> -> memref<128xi32, #tpu.memory_space<hbm>>
      tpu.enqueue_dma source(%dma_start3A_130 : memref<128xi32, #tpu.memory_space<hbm>>) target(%arg5 : memref<128xi32, #tpu.memory_space<vmem>>) target_semaphore(%run_scoped3A : memref<!tpu.dma_semaphore, #tpu.memory_space<semaphore_mem>>)
      %dma_wait3A_131 = tpu.memref_slice %arg2[%add3A_114] : memref<65536xi32, #tpu.memory_space<hbm>> -> memref<128xi32, #tpu.memory_space<hbm>>
      %dma_wait3A_132 = tpu.memref_slice %arg2[%add3A_114] : memref<65536xi32, #tpu.memory_space<hbm>> -> memref<128xi32, #tpu.memory_space<hbm>>
      tpu.wait_dma2 semaphore(%run_scoped3A : memref<!tpu.dma_semaphore, #tpu.memory_space<semaphore_mem>>) src(%dma_wait3A_132 : memref<128xi32, #tpu.memory_space<hbm>>) dst(%arg5 : memref<128xi32, #tpu.memory_space<vmem>>)
      tpu.yield
    }) : () -> ()
    %dma_start3A_115 = arith.constant 0 : i32
    %dma_start3A_116 = arith.constant 0 : i32
    %dma_start3A_117 = tpu.memref_slice %arg3[%dma_start3A_115, %dma_start3A_116] : memref<100000x128xf32, #tpu.memory_space<hbm>> -> memref<100000x128xf32, #tpu.memory_space<hbm>>
    tpu.enqueue_indirect_dma source(%dma_start3A_117 : memref<100000x128xf32, #tpu.memory_space<hbm>>) target(%arg6 : memref<128x128xf32, #tpu.memory_space<vmem>>) offsets(%arg5 : memref<128xi32, #tpu.memory_space<vmem>>) semaphore(%arg7 : memref<!tpu.dma_semaphore, #tpu.memory_space<semaphore_mem>>)
    %dma_wait3A_118 = arith.constant 0 : i32
    %dma_wait3A_119 = arith.constant 0 : i32
    %dma_wait3A_120 = tpu.memref_slice %arg3[%dma_wait3A_118, %dma_wait3A_119] : memref<100000x128xf32, #tpu.memory_space<hbm>> -> memref<100000x128xf32, #tpu.memory_space<hbm>>
    tpu.wait_indirect_dma semaphore(%arg7 : memref<!tpu.dma_semaphore, #tpu.memory_space<semaphore_mem>>) src(%dma_wait3A_120 : memref<100000x128xf32, #tpu.memory_space<hbm>>) dst(%arg6 : memref<128x128xf32, #tpu.memory_space<vmem>>)
    "tpu.region"() ({
      %run_scoped3A = tpu.sem_alloc : memref<!tpu.dma_semaphore, #tpu.memory_space<semaphore_mem>>
      %dma_start3A_129 = arith.constant 0 : i32
      %dma_start3A_130 = tpu.memref_slice %arg4[%add3A_114, %dma_start3A_129] : memref<65536x128xf32, #tpu.memory_space<hbm>> -> memref<128x128xf32, #tpu.memory_space<hbm>>
      %dma_start3A_131 = arith.constant 0 : i32
      %dma_start3A_132 = tpu.memref_slice %arg4[%add3A_114, %dma_start3A_131] : memref<65536x128xf32, #tpu.memory_space<hbm>> -> memref<128x128xf32, #tpu.memory_space<hbm>>
      tpu.enqueue_dma source(%arg6 : memref<128x128xf32, #tpu.memory_space<vmem>>) target(%dma_start3A_132 : memref<128x128xf32, #tpu.memory_space<hbm>>) target_semaphore(%run_scoped3A : memref<!tpu.dma_semaphore, #tpu.memory_space<semaphore_mem>>)
      %dma_wait3A_133 = arith.constant 0 : i32
      %dma_wait3A_134 = tpu.memref_slice %arg4[%add3A_114, %dma_wait3A_133] : memref<65536x128xf32, #tpu.memory_space<hbm>> -> memref<128x128xf32, #tpu.memory_space<hbm>>
      %dma_wait3A_135 = arith.constant 0 : i32
      %dma_wait3A_136 = tpu.memref_slice %arg4[%add3A_114, %dma_wait3A_135] : memref<65536x128xf32, #tpu.memory_space<hbm>> -> memref<128x128xf32, #tpu.memory_space<hbm>>
      tpu.wait_dma2 semaphore(%run_scoped3A : memref<!tpu.dma_semaphore, #tpu.memory_space<semaphore_mem>>) src(%arg6 : memref<128x128xf32, #tpu.memory_space<vmem>>) dst(%dma_wait3A_136 : memref<128x128xf32, #tpu.memory_space<hbm>>)
      tpu.yield
    }) : () -> ()
    %add3A_121 = arith.constant 1920 : i32
    %add3A_122 = arith.addi %mul3A_2, %add3A_121 : i32
    "tpu.region"() ({
      %run_scoped3A = tpu.sem_alloc : memref<!tpu.dma_semaphore, #tpu.memory_space<semaphore_mem>>
      %dma_start3A_129 = tpu.memref_slice %arg2[%add3A_122] : memref<65536xi32, #tpu.memory_space<hbm>> -> memref<128xi32, #tpu.memory_space<hbm>>
      %dma_start3A_130 = tpu.memref_slice %arg2[%add3A_122] : memref<65536xi32, #tpu.memory_space<hbm>> -> memref<128xi32, #tpu.memory_space<hbm>>
      tpu.enqueue_dma source(%dma_start3A_130 : memref<128xi32, #tpu.memory_space<hbm>>) target(%arg5 : memref<128xi32, #tpu.memory_space<vmem>>) target_semaphore(%run_scoped3A : memref<!tpu.dma_semaphore, #tpu.memory_space<semaphore_mem>>)
      %dma_wait3A_131 = tpu.memref_slice %arg2[%add3A_122] : memref<65536xi32, #tpu.memory_space<hbm>> -> memref<128xi32, #tpu.memory_space<hbm>>
      %dma_wait3A_132 = tpu.memref_slice %arg2[%add3A_122] : memref<65536xi32, #tpu.memory_space<hbm>> -> memref<128xi32, #tpu.memory_space<hbm>>
      tpu.wait_dma2 semaphore(%run_scoped3A : memref<!tpu.dma_semaphore, #tpu.memory_space<semaphore_mem>>) src(%dma_wait3A_132 : memref<128xi32, #tpu.memory_space<hbm>>) dst(%arg5 : memref<128xi32, #tpu.memory_space<vmem>>)
      tpu.yield
    }) : () -> ()
    %dma_start3A_123 = arith.constant 0 : i32
    %dma_start3A_124 = arith.constant 0 : i32
    %dma_start3A_125 = tpu.memref_slice %arg3[%dma_start3A_123, %dma_start3A_124] : memref<100000x128xf32, #tpu.memory_space<hbm>> -> memref<100000x128xf32, #tpu.memory_space<hbm>>
    tpu.enqueue_indirect_dma source(%dma_start3A_125 : memref<100000x128xf32, #tpu.memory_space<hbm>>) target(%arg6 : memref<128x128xf32, #tpu.memory_space<vmem>>) offsets(%arg5 : memref<128xi32, #tpu.memory_space<vmem>>) semaphore(%arg7 : memref<!tpu.dma_semaphore, #tpu.memory_space<semaphore_mem>>)
    %dma_wait3A_126 = arith.constant 0 : i32
    %dma_wait3A_127 = arith.constant 0 : i32
    %dma_wait3A_128 = tpu.memref_slice %arg3[%dma_wait3A_126, %dma_wait3A_127] : memref<100000x128xf32, #tpu.memory_space<hbm>> -> memref<100000x128xf32, #tpu.memory_space<hbm>>
    tpu.wait_indirect_dma semaphore(%arg7 : memref<!tpu.dma_semaphore, #tpu.memory_space<semaphore_mem>>) src(%dma_wait3A_128 : memref<100000x128xf32, #tpu.memory_space<hbm>>) dst(%arg6 : memref<128x128xf32, #tpu.memory_space<vmem>>)
    "tpu.region"() ({
      %run_scoped3A = tpu.sem_alloc : memref<!tpu.dma_semaphore, #tpu.memory_space<semaphore_mem>>
      %dma_start3A_129 = arith.constant 0 : i32
      %dma_start3A_130 = tpu.memref_slice %arg4[%add3A_122, %dma_start3A_129] : memref<65536x128xf32, #tpu.memory_space<hbm>> -> memref<128x128xf32, #tpu.memory_space<hbm>>
      %dma_start3A_131 = arith.constant 0 : i32
      %dma_start3A_132 = tpu.memref_slice %arg4[%add3A_122, %dma_start3A_131] : memref<65536x128xf32, #tpu.memory_space<hbm>> -> memref<128x128xf32, #tpu.memory_space<hbm>>
      tpu.enqueue_dma source(%arg6 : memref<128x128xf32, #tpu.memory_space<vmem>>) target(%dma_start3A_132 : memref<128x128xf32, #tpu.memory_space<hbm>>) target_semaphore(%run_scoped3A : memref<!tpu.dma_semaphore, #tpu.memory_space<semaphore_mem>>)
      %dma_wait3A_133 = arith.constant 0 : i32
      %dma_wait3A_134 = tpu.memref_slice %arg4[%add3A_122, %dma_wait3A_133] : memref<65536x128xf32, #tpu.memory_space<hbm>> -> memref<128x128xf32, #tpu.memory_space<hbm>>
      %dma_wait3A_135 = arith.constant 0 : i32
      %dma_wait3A_136 = tpu.memref_slice %arg4[%add3A_122, %dma_wait3A_135] : memref<65536x128xf32, #tpu.memory_space<hbm>> -> memref<128x128xf32, #tpu.memory_space<hbm>>
      tpu.wait_dma2 semaphore(%run_scoped3A : memref<!tpu.dma_semaphore, #tpu.memory_space<semaphore_mem>>) src(%arg6 : memref<128x128xf32, #tpu.memory_space<vmem>>) dst(%dma_wait3A_136 : memref<128x128xf32, #tpu.memory_space<hbm>>)
      tpu.yield
    }) : () -> ()
    return
  }
}

module attributes {stable_mosaic.version = 14 : i64} {
  func.func @_topk_body(%arg0: i32, %arg1: memref<1024x64xf32, #tpu.memory_space<vmem>>, %arg2: memref<64x64xf32, #tpu.memory_space<vmem>>, %arg3: memref<64x64xf32, #tpu.memory_space<vmem>>, %arg4: memref<1024x64xf32, #tpu.memory_space<vmem>>, %arg5: memref<1024x64xf32, #tpu.memory_space<vmem>>, %arg6: memref<1024x64xi32, #tpu.memory_space<vmem>>, %arg7: memref<1024x64xf32, #tpu.memory_space<vmem>>, %arg8: memref<1024x64xf32, #tpu.memory_space<vmem>>, %arg9: memref<1024x64xi32, #tpu.memory_space<vmem>>, %arg10: memref<1024x1024xf32, #tpu.memory_space<vmem>>) attributes {dimension_semantics = [#tpu.dimension_semantics<arbitrary>], iteration_bounds = array<i64: 98>, scalar_prefetch = 0 : i64, scratch_operands = 4 : i64, tpu.core_type = #tpu.core_type<tc>, window_params = [{pipeline_mode = #tpu.pipeline_mode<synchronous>, transform_indices = @transform_0, window_bounds = array<i64: 1024, 64>}, {pipeline_mode = #tpu.pipeline_mode<synchronous>, transform_indices = @transform_1, window_bounds = array<i64: 64, 64>}, {pipeline_mode = #tpu.pipeline_mode<synchronous>, transform_indices = @transform_2, window_bounds = array<i64: 64, 64>}, {transform_indices = @transform_3, window_bounds = array<i64: 1024, 64>}, {pipeline_mode = #tpu.pipeline_mode<synchronous>, transform_indices = @transform_4, window_bounds = array<i64: 1024, 64>}, {pipeline_mode = #tpu.pipeline_mode<synchronous>, transform_indices = @transform_5, window_bounds = array<i64: 1024, 64>}]} {
    %eq3A = arith.constant 0 : i32
    %eq3A_0 = arith.cmpi eq, %arg0, %eq3A : i32
    %convert_element_type3A = arith.extui %eq3A_0 : i1 to i32
    %cond3A = arith.constant 0 : i32
    %cond3A_1 = arith.cmpi ne, %convert_element_type3A, %cond3A : i32
    scf.if %cond3A_1 {
      %get3A_42 = arith.constant 0 : index
      %get3A_43 = arith.constant 0 : index
      %get3A_44 = vector.load %arg1[%get3A_42, %get3A_43] : memref<1024x64xf32, #tpu.memory_space<vmem>>, vector<1024x64xf32>
      %get3A_45 = arith.constant 0 : index
      %get3A_46 = arith.constant 0 : index
      %get3A_47 = vector.load %arg2[%get3A_45, %get3A_46] : memref<64x64xf32, #tpu.memory_space<vmem>>, vector<64x64xf32>
      %dot_general3A_48 = arith.constant dense<0.000000e+00> : vector<1024x64xf32>
      %dot_general3A_49 = tpu.matmul %get3A_44, %get3A_47, %dot_general3A_48 {dimension_numbers = #tpu.dot_dimension_numbers<[1], [1], [0], [0], [0, 0, 1, 0], [], []>, transpose_lhs_hint = false} : vector<1024x64xf32>, vector<64x64xf32>, vector<1024x64xf32> -> vector<1024x64xf32>
      %get3A_50 = arith.constant 0 : index
      %get3A_51 = arith.constant 0 : index
      %get3A_52 = vector.load %arg3[%get3A_50, %get3A_51] : memref<64x64xf32, #tpu.memory_space<vmem>>, vector<64x64xf32>
      %dot_general3A_53 = arith.constant dense<0.000000e+00> : vector<1024x64xf32>
      %dot_general3A_54 = tpu.matmul %dot_general3A_49, %get3A_52, %dot_general3A_53 {dimension_numbers = #tpu.dot_dimension_numbers<[1], [0], [0], [1], [0, 0, 1, 1], [], []>, transpose_lhs_hint = false} : vector<1024x64xf32>, vector<64x64xf32>, vector<1024x64xf32> -> vector<1024x64xf32>
      %swap3A_55 = arith.constant 0 : index
      %swap3A_56 = arith.constant 0 : index
      %swap3A_57 = vector.load %arg7[%swap3A_55, %swap3A_56] : memref<1024x64xf32, #tpu.memory_space<vmem>>, vector<1024x64xf32>
      tpu.vector_store %arg7[%swap3A_55, %swap3A_56], %dot_general3A_54 {strides = array<i32>} : memref<1024x64xf32, #tpu.memory_space<vmem>>, vector<1024x64xf32>,
      %broadcast_in_dim3A_58 = arith.constant 0xFF800000 : f32
      %broadcast_in_dim3A_59 = vector.broadcast %broadcast_in_dim3A_58 : f32 to vector<1024x64xf32>
      %swap3A_60 = arith.constant 0 : index
      %swap3A_61 = arith.constant 0 : index
      %swap3A_62 = vector.load %arg8[%swap3A_60, %swap3A_61] : memref<1024x64xf32, #tpu.memory_space<vmem>>, vector<1024x64xf32>
      tpu.vector_store %arg8[%swap3A_60, %swap3A_61], %broadcast_in_dim3A_59 {strides = array<i32>} : memref<1024x64xf32, #tpu.memory_space<vmem>>, vector<1024x64xf32>,
      %broadcast_in_dim3A_63 = arith.constant 0 : i32
      %broadcast_in_dim3A_64 = vector.broadcast %broadcast_in_dim3A_63 : i32 to vector<1024x64xi32>
      %swap3A_65 = arith.constant 0 : index
      %swap3A_66 = arith.constant 0 : index
      %swap3A_67 = vector.load %arg9[%swap3A_65, %swap3A_66] : memref<1024x64xi32, #tpu.memory_space<vmem>>, vector<1024x64xi32>
      tpu.vector_store %arg9[%swap3A_65, %swap3A_66], %broadcast_in_dim3A_64 {strides = array<i32>} : memref<1024x64xi32, #tpu.memory_space<vmem>>, vector<1024x64xi32>,
    } else {
    }
    %get3A = arith.constant 0 : index
    %get3A_2 = arith.constant 0 : index
    %get3A_3 = vector.load %arg7[%get3A, %get3A_2] : memref<1024x64xf32, #tpu.memory_space<vmem>>, vector<1024x64xf32>
    %get3A_4 = arith.constant 0 : index
    %get3A_5 = arith.constant 0 : index
    %get3A_6 = vector.load %arg4[%get3A_4, %get3A_5] : memref<1024x64xf32, #tpu.memory_space<vmem>>, vector<1024x64xf32>
    %dot_general3A = arith.constant dense<0.000000e+00> : vector<1024x1024xf32>
    %dot_general3A_7 = tpu.matmul %get3A_3, %get3A_6, %dot_general3A {dimension_numbers = #tpu.dot_dimension_numbers<[1], [1], [0], [0], [0, 0, 1, 0], [], []>, transpose_lhs_hint = false} : vector<1024x64xf32>, vector<1024x64xf32>, vector<1024x1024xf32> -> vector<1024x1024xf32>
    %mul3A = arith.constant 1024 : i32
    %mul3A_8 = arith.muli %arg0, %mul3A : i32
    %iota3A = tpu.iota {dimensions = array<i32: 1>} : vector<1024x1024xi32>
    %add3A = vector.broadcast %mul3A_8 : i32 to vector<1024x1024xi32>
    %add3A_9 = arith.addi %add3A, %iota3A : vector<1024x1024xi32>
    %lt3A = arith.constant 100000 : i32
    %lt3A_10 = vector.broadcast %lt3A : i32 to vector<1024x1024xi32>
    %lt3A_11 = arith.cmpi slt, %add3A_9, %lt3A_10 : vector<1024x1024xi32>
    %jit3A = arith.constant 0xFF800000 : f32
    %broadcast_in_dim3A = vector.broadcast %jit3A : f32 to vector<1024x1024xf32>
    %select_n3A = arith.select %lt3A_11, %dot_general3A_7, %broadcast_in_dim3A : vector<1024x1024xi1>, vector<1024x1024xf32>
    %swap3A = arith.constant 0 : index
    %swap3A_12 = arith.constant 0 : index
    %swap3A_13 = vector.load %arg10[%swap3A, %swap3A_12] : memref<1024x1024xf32, #tpu.memory_space<vmem>>, vector<1024x1024xf32>
    tpu.vector_store %arg10[%swap3A, %swap3A_12], %select_n3A {strides = array<i32>} : memref<1024x1024xf32, #tpu.memory_space<vmem>>, vector<1024x1024xf32>,
    %get3A_14 = arith.constant 0 : index
    %get3A_15 = arith.constant 0 : index
    %get3A_16 = vector.load %arg8[%get3A_14, %get3A_15] : memref<1024x64xf32, #tpu.memory_space<vmem>>, vector<1024x64xf32>
    %reduce_min3A = arith.constant dense<0x7F800000> : vector<1024xf32>
    %reduce_min3A_17 = vector.multi_reduction <minimumf>, %get3A_16, %reduce_min3A [1] : vector<1024x64xf32> to vector<1024xf32>
    %broadcast_in_dim3A_18 = vector.shape_cast %reduce_min3A_17 : vector<1024xf32> to vector<1024x1xf32>
    %gt3A = vector.broadcast %broadcast_in_dim3A_18 : vector<1024x1xf32> to vector<1024x1024xf32>
    %gt3A_19 = arith.cmpf ogt, %select_n3A, %gt3A : vector<1024x1024xf32>
    %convert_element_type3A_20 = arith.extui %gt3A_19 : vector<1024x1024xi1> to vector<1024x1024xi32>
    %reduce_sum3A = arith.constant dense<0> : vector<1024xi32>
    %reduce_sum3A_21 = vector.multi_reduction <add>, %convert_element_type3A_20, %reduce_sum3A [1] : vector<1024x1024xi32> to vector<1024xi32>
    %reduce_max3A = vector.shape_cast %reduce_sum3A_21 : vector<1024xi32> to vector<1x1024xi32>
    %reduce_max3A_22 = arith.constant dense<-2147483648> : vector<1xi32>
    %reduce_max3A_23 = vector.multi_reduction <maxsi>, %reduce_max3A, %reduce_max3A_22 [1] : vector<1x1024xi32> to vector<1xi32>
    %reduce_max3A_24 = vector.shape_cast %reduce_max3A_23 : vector<1xi32> to vector<1x1xi32>
    %reduce_max3A_25 = vector.extract %reduce_max3A_24[0, 0] : i32 from vector<1x1xi32>
    %min3A = arith.constant 64 : i32
    %min3A_26 = arith.minsi %reduce_max3A_25, %min3A : i32
    %iota3A_27 = tpu.iota {dimensions = array<i32: 1>} : vector<1024x64xi32>
    %while3A = arith.constant 0 : i32
    %while3A_28 = arith.constant 0 : i32
    %while3A_29 = arith.subi %min3A_26, %while3A_28 : i32
    %while3A_30 = arith.addi %while3A_28, %while3A_29 : i32
    %while3A_31 = arith.constant 1 : i32
    %while3A_32 = arith.divsi %while3A_29, %while3A_31 : i32
    %while3A_33 = arith.muli %while3A_32, %while3A_31 : i32
    %while3A_34 = arith.addi %while3A_28, %while3A_33 : i32
    %while3A_35 = arith.constant 1 : i32
    scf.for %while3A_42 = %while3A_28 to %while3A_34 step %while3A_35  : i32 {
      %get3A_43 = arith.constant 0 : index
      %get3A_44 = arith.constant 0 : index
      %get3A_45 = vector.load %arg10[%get3A_43, %get3A_44] : memref<1024x1024xf32, #tpu.memory_space<vmem>>, vector<1024x1024xf32>
      %get3A_46 = arith.constant 0 : index
      %get3A_47 = arith.constant 0 : index
      %get3A_48 = vector.load %arg8[%get3A_46, %get3A_47] : memref<1024x64xf32, #tpu.memory_space<vmem>>, vector<1024x64xf32>
      %get3A_49 = arith.constant 0 : index
      %get3A_50 = arith.constant 0 : index
      %get3A_51 = vector.load %arg9[%get3A_49, %get3A_50] : memref<1024x64xi32, #tpu.memory_space<vmem>>, vector<1024x64xi32>
      %reduce_min3A_52 = arith.constant dense<0x7F800000> : vector<1024xf32>
      %reduce_min3A_53 = vector.multi_reduction <minimumf>, %get3A_48, %reduce_min3A_52 [1] : vector<1024x64xf32> to vector<1024xf32>
      %broadcast_in_dim3A_54 = vector.shape_cast %reduce_min3A_53 : vector<1024xf32> to vector<1024x1xf32>
      %reduce_max3A_55 = arith.constant dense<0xFF800000> : vector<1024xf32>
      %reduce_max3A_56 = vector.multi_reduction <maximumf>, %get3A_45, %reduce_max3A_55 [1] : vector<1024x1024xf32> to vector<1024xf32>
      %broadcast_in_dim3A_57 = vector.shape_cast %reduce_max3A_56 : vector<1024xf32> to vector<1024x1xf32>
      %gt3A_58 = arith.cmpf ogt, %broadcast_in_dim3A_57, %broadcast_in_dim3A_54 : vector<1024x1xf32>
      %eq3A_59 = vector.broadcast %broadcast_in_dim3A_57 : vector<1024x1xf32> to vector<1024x1024xf32>
      %eq3A_60 = arith.cmpf oeq, %get3A_45, %eq3A_59 : vector<1024x1024xf32>
      %jit3A_61 = arith.constant 1073741824 : i32
      %broadcast_in_dim3A_62 = vector.broadcast %jit3A_61 : i32 to vector<1024x1024xi32>
      %select_n3A_63 = arith.select %eq3A_60, %add3A_9, %broadcast_in_dim3A_62 : vector<1024x1024xi1>, vector<1024x1024xi32>
      %reduce_min3A_64 = arith.constant dense<2147483647> : vector<1024xi32>
      %reduce_min3A_65 = vector.multi_reduction <minsi>, %select_n3A_63, %reduce_min3A_64 [1] : vector<1024x1024xi32> to vector<1024xi32>
      %broadcast_in_dim3A_66 = vector.shape_cast %reduce_min3A_65 : vector<1024xi32> to vector<1024x1xi32>
      %eq3A_67 = vector.broadcast %broadcast_in_dim3A_66 : vector<1024x1xi32> to vector<1024x1024xi32>
      %eq3A_68 = arith.cmpi eq, %add3A_9, %eq3A_67 : vector<1024x1024xi32>
      %jit3A_69 = arith.constant 0xFF800000 : f32
      %broadcast_in_dim3A_70 = vector.broadcast %jit3A_69 : f32 to vector<1024x1024xf32>
      %select_n3A_71 = arith.select %eq3A_68, %broadcast_in_dim3A_70, %get3A_45 : vector<1024x1024xi1>, vector<1024x1024xf32>
      %swap3A_72 = arith.constant 0 : index
      %swap3A_73 = arith.constant 0 : index
      %swap3A_74 = vector.load %arg10[%swap3A_72, %swap3A_73] : memref<1024x1024xf32, #tpu.memory_space<vmem>>, vector<1024x1024xf32>
      tpu.vector_store %arg10[%swap3A_72, %swap3A_73], %select_n3A_71 {strides = array<i32>} : memref<1024x1024xf32, #tpu.memory_space<vmem>>, vector<1024x1024xf32>,
      %eq3A_75 = vector.broadcast %broadcast_in_dim3A_54 : vector<1024x1xf32> to vector<1024x64xf32>
      %eq3A_76 = arith.cmpf oeq, %get3A_48, %eq3A_75 : vector<1024x64xf32>
      %jit3A_77 = arith.constant 1073741824 : i32
      %broadcast_in_dim3A_78 = vector.broadcast %jit3A_77 : i32 to vector<1024x64xi32>
      %select_n3A_79 = arith.select %eq3A_76, %iota3A_27, %broadcast_in_dim3A_78 : vector<1024x64xi1>, vector<1024x64xi32>
      %reduce_min3A_80 = arith.constant dense<2147483647> : vector<1024xi32>
      %reduce_min3A_81 = vector.multi_reduction <minsi>, %select_n3A_79, %reduce_min3A_80 [1] : vector<1024x64xi32> to vector<1024xi32>
      %broadcast_in_dim3A_82 = vector.shape_cast %reduce_min3A_81 : vector<1024xi32> to vector<1024x1xi32>
      %eq3A_83 = vector.broadcast %broadcast_in_dim3A_82 : vector<1024x1xi32> to vector<1024x64xi32>
      %eq3A_84 = arith.cmpi eq, %iota3A_27, %eq3A_83 : vector<1024x64xi32>
      %and3A = vector.broadcast %gt3A_58 : vector<1024x1xi1> to vector<1024x64xi1>
      %and3A_85 = arith.andi %eq3A_84, %and3A : vector<1024x64xi1>
      %broadcast_in_dim3A_86 = vector.shape_cast %broadcast_in_dim3A_57 : vector<1024x1xf32> to vector<1024x1xf32>
      %broadcast_in_dim3A_87 = vector.broadcast %broadcast_in_dim3A_86 : vector<1024x1xf32> to vector<1024x64xf32>
      %select_n3A_88 = arith.select %and3A_85, %broadcast_in_dim3A_87, %get3A_48 : vector<1024x64xi1>, vector<1024x64xf32>
      %swap3A_89 = arith.constant 0 : index
      %swap3A_90 = arith.constant 0 : index
      %swap3A_91 = vector.load %arg8[%swap3A_89, %swap3A_90] : memref<1024x64xf32, #tpu.memory_space<vmem>>, vector<1024x64xf32>
      tpu.vector_store %arg8[%swap3A_89, %swap3A_90], %select_n3A_88 {strides = array<i32>} : memref<1024x64xf32, #tpu.memory_space<vmem>>, vector<1024x64xf32>,
      %broadcast_in_dim3A_92 = vector.shape_cast %broadcast_in_dim3A_66 : vector<1024x1xi32> to vector<1024x1xi32>
      %broadcast_in_dim3A_93 = vector.broadcast %broadcast_in_dim3A_92 : vector<1024x1xi32> to vector<1024x64xi32>
      %select_n3A_94 = arith.select %and3A_85, %broadcast_in_dim3A_93, %get3A_51 : vector<1024x64xi1>, vector<1024x64xi32>
      %swap3A_95 = arith.constant 0 : index
      %swap3A_96 = arith.constant 0 : index
      %swap3A_97 = vector.load %arg9[%swap3A_95, %swap3A_96] : memref<1024x64xi32, #tpu.memory_space<vmem>>, vector<1024x64xi32>
      tpu.vector_store %arg9[%swap3A_95, %swap3A_96], %select_n3A_94 {strides = array<i32>} : memref<1024x64xi32, #tpu.memory_space<vmem>>, vector<1024x64xi32>,
    }
    %while3A_36 = arith.constant 1 : i32
    scf.for %while3A_42 = %while3A_34 to %while3A_30 step %while3A_36  : i32 {
      %get3A_43 = arith.constant 0 : index
      %get3A_44 = arith.constant 0 : index
      %get3A_45 = vector.load %arg10[%get3A_43, %get3A_44] : memref<1024x1024xf32, #tpu.memory_space<vmem>>, vector<1024x1024xf32>
      %get3A_46 = arith.constant 0 : index
      %get3A_47 = arith.constant 0 : index
      %get3A_48 = vector.load %arg8[%get3A_46, %get3A_47] : memref<1024x64xf32, #tpu.memory_space<vmem>>, vector<1024x64xf32>
      %get3A_49 = arith.constant 0 : index
      %get3A_50 = arith.constant 0 : index
      %get3A_51 = vector.load %arg9[%get3A_49, %get3A_50] : memref<1024x64xi32, #tpu.memory_space<vmem>>, vector<1024x64xi32>
      %reduce_min3A_52 = arith.constant dense<0x7F800000> : vector<1024xf32>
      %reduce_min3A_53 = vector.multi_reduction <minimumf>, %get3A_48, %reduce_min3A_52 [1] : vector<1024x64xf32> to vector<1024xf32>
      %broadcast_in_dim3A_54 = vector.shape_cast %reduce_min3A_53 : vector<1024xf32> to vector<1024x1xf32>
      %reduce_max3A_55 = arith.constant dense<0xFF800000> : vector<1024xf32>
      %reduce_max3A_56 = vector.multi_reduction <maximumf>, %get3A_45, %reduce_max3A_55 [1] : vector<1024x1024xf32> to vector<1024xf32>
      %broadcast_in_dim3A_57 = vector.shape_cast %reduce_max3A_56 : vector<1024xf32> to vector<1024x1xf32>
      %gt3A_58 = arith.cmpf ogt, %broadcast_in_dim3A_57, %broadcast_in_dim3A_54 : vector<1024x1xf32>
      %eq3A_59 = vector.broadcast %broadcast_in_dim3A_57 : vector<1024x1xf32> to vector<1024x1024xf32>
      %eq3A_60 = arith.cmpf oeq, %get3A_45, %eq3A_59 : vector<1024x1024xf32>
      %jit3A_61 = arith.constant 1073741824 : i32
      %broadcast_in_dim3A_62 = vector.broadcast %jit3A_61 : i32 to vector<1024x1024xi32>
      %select_n3A_63 = arith.select %eq3A_60, %add3A_9, %broadcast_in_dim3A_62 : vector<1024x1024xi1>, vector<1024x1024xi32>
      %reduce_min3A_64 = arith.constant dense<2147483647> : vector<1024xi32>
      %reduce_min3A_65 = vector.multi_reduction <minsi>, %select_n3A_63, %reduce_min3A_64 [1] : vector<1024x1024xi32> to vector<1024xi32>
      %broadcast_in_dim3A_66 = vector.shape_cast %reduce_min3A_65 : vector<1024xi32> to vector<1024x1xi32>
      %eq3A_67 = vector.broadcast %broadcast_in_dim3A_66 : vector<1024x1xi32> to vector<1024x1024xi32>
      %eq3A_68 = arith.cmpi eq, %add3A_9, %eq3A_67 : vector<1024x1024xi32>
      %jit3A_69 = arith.constant 0xFF800000 : f32
      %broadcast_in_dim3A_70 = vector.broadcast %jit3A_69 : f32 to vector<1024x1024xf32>
      %select_n3A_71 = arith.select %eq3A_68, %broadcast_in_dim3A_70, %get3A_45 : vector<1024x1024xi1>, vector<1024x1024xf32>
      %swap3A_72 = arith.constant 0 : index
      %swap3A_73 = arith.constant 0 : index
      %swap3A_74 = vector.load %arg10[%swap3A_72, %swap3A_73] : memref<1024x1024xf32, #tpu.memory_space<vmem>>, vector<1024x1024xf32>
      tpu.vector_store %arg10[%swap3A_72, %swap3A_73], %select_n3A_71 {strides = array<i32>} : memref<1024x1024xf32, #tpu.memory_space<vmem>>, vector<1024x1024xf32>,
      %eq3A_75 = vector.broadcast %broadcast_in_dim3A_54 : vector<1024x1xf32> to vector<1024x64xf32>
      %eq3A_76 = arith.cmpf oeq, %get3A_48, %eq3A_75 : vector<1024x64xf32>
      %jit3A_77 = arith.constant 1073741824 : i32
      %broadcast_in_dim3A_78 = vector.broadcast %jit3A_77 : i32 to vector<1024x64xi32>
      %select_n3A_79 = arith.select %eq3A_76, %iota3A_27, %broadcast_in_dim3A_78 : vector<1024x64xi1>, vector<1024x64xi32>
      %reduce_min3A_80 = arith.constant dense<2147483647> : vector<1024xi32>
      %reduce_min3A_81 = vector.multi_reduction <minsi>, %select_n3A_79, %reduce_min3A_80 [1] : vector<1024x64xi32> to vector<1024xi32>
      %broadcast_in_dim3A_82 = vector.shape_cast %reduce_min3A_81 : vector<1024xi32> to vector<1024x1xi32>
      %eq3A_83 = vector.broadcast %broadcast_in_dim3A_82 : vector<1024x1xi32> to vector<1024x64xi32>
      %eq3A_84 = arith.cmpi eq, %iota3A_27, %eq3A_83 : vector<1024x64xi32>
      %and3A = vector.broadcast %gt3A_58 : vector<1024x1xi1> to vector<1024x64xi1>
      %and3A_85 = arith.andi %eq3A_84, %and3A : vector<1024x64xi1>
      %broadcast_in_dim3A_86 = vector.shape_cast %broadcast_in_dim3A_57 : vector<1024x1xf32> to vector<1024x1xf32>
      %broadcast_in_dim3A_87 = vector.broadcast %broadcast_in_dim3A_86 : vector<1024x1xf32> to vector<1024x64xf32>
      %select_n3A_88 = arith.select %and3A_85, %broadcast_in_dim3A_87, %get3A_48 : vector<1024x64xi1>, vector<1024x64xf32>
      %swap3A_89 = arith.constant 0 : index
      %swap3A_90 = arith.constant 0 : index
      %swap3A_91 = vector.load %arg8[%swap3A_89, %swap3A_90] : memref<1024x64xf32, #tpu.memory_space<vmem>>, vector<1024x64xf32>
      tpu.vector_store %arg8[%swap3A_89, %swap3A_90], %select_n3A_88 {strides = array<i32>} : memref<1024x64xf32, #tpu.memory_space<vmem>>, vector<1024x64xf32>,
      %broadcast_in_dim3A_92 = vector.shape_cast %broadcast_in_dim3A_66 : vector<1024x1xi32> to vector<1024x1xi32>
      %broadcast_in_dim3A_93 = vector.broadcast %broadcast_in_dim3A_92 : vector<1024x1xi32> to vector<1024x64xi32>
      %select_n3A_94 = arith.select %and3A_85, %broadcast_in_dim3A_93, %get3A_51 : vector<1024x64xi1>, vector<1024x64xi32>
      %swap3A_95 = arith.constant 0 : index
      %swap3A_96 = arith.constant 0 : index
      %swap3A_97 = vector.load %arg9[%swap3A_95, %swap3A_96] : memref<1024x64xi32, #tpu.memory_space<vmem>>, vector<1024x64xi32>
      tpu.vector_store %arg9[%swap3A_95, %swap3A_96], %select_n3A_94 {strides = array<i32>} : memref<1024x64xi32, #tpu.memory_space<vmem>>, vector<1024x64xi32>,
    }
    %eq3A_37 = arith.constant 97 : i32
    %eq3A_38 = arith.cmpi eq, %arg0, %eq3A_37 : i32
    %convert_element_type3A_39 = arith.extui %eq3A_38 : i1 to i32
    %cond3A_40 = arith.constant 0 : i32
    %cond3A_41 = arith.cmpi ne, %convert_element_type3A_39, %cond3A_40 : i32
    scf.if %cond3A_41 {
      %get3A_42 = arith.constant 0 : index
      %get3A_43 = arith.constant 0 : index
      %get3A_44 = vector.load %arg8[%get3A_42, %get3A_43] : memref<1024x64xf32, #tpu.memory_space<vmem>>, vector<1024x64xf32>
      %swap3A_45 = arith.constant 0 : index
      %swap3A_46 = arith.constant 0 : index
      %swap3A_47 = vector.load %arg5[%swap3A_45, %swap3A_46] : memref<1024x64xf32, #tpu.memory_space<vmem>>, vector<1024x64xf32>
      tpu.vector_store %arg5[%swap3A_45, %swap3A_46], %get3A_44 {strides = array<i32>} : memref<1024x64xf32, #tpu.memory_space<vmem>>, vector<1024x64xf32>,
      %get3A_48 = arith.constant 0 : index
      %get3A_49 = arith.constant 0 : index
      %get3A_50 = vector.load %arg9[%get3A_48, %get3A_49] : memref<1024x64xi32, #tpu.memory_space<vmem>>, vector<1024x64xi32>
      %swap3A_51 = arith.constant 0 : index
      %swap3A_52 = arith.constant 0 : index
      %swap3A_53 = vector.load %arg6[%swap3A_51, %swap3A_52] : memref<1024x64xi32, #tpu.memory_space<vmem>>, vector<1024x64xi32>
      tpu.vector_store %arg6[%swap3A_51, %swap3A_52], %get3A_50 {strides = array<i32>} : memref<1024x64xi32, #tpu.memory_space<vmem>>, vector<1024x64xi32>,
    } else {
    }
    return
  }
  func.func @transform_0(%arg0: i32) -> (i32, i32) {
    %c0_i32 = arith.constant 0 : i32
    %c0_i32_0 = arith.constant 0 : i32
    %c0_i32_1 = arith.constant 0 : i32
    return %c0_i32, %c0_i32_0 : i32, i32
  }
  func.func @transform_1(%arg0: i32) -> (i32, i32) {
    %c0_i32 = arith.constant 0 : i32
    %c0_i32_0 = arith.constant 0 : i32
    %c0_i32_1 = arith.constant 0 : i32
    return %c0_i32, %c0_i32_0 : i32, i32
  }
  func.func @transform_2(%arg0: i32) -> (i32, i32) {
    %c0_i32 = arith.constant 0 : i32
    %c0_i32_0 = arith.constant 0 : i32
    %c0_i32_1 = arith.constant 0 : i32
    return %c0_i32, %c0_i32_0 : i32, i32
  }
  func.func @transform_3(%arg0: i32) -> (i32, i32) {
    %c0_i32 = arith.constant 0 : i32
    %c0_i32_0 = arith.constant 0 : i32
    return %arg0, %c0_i32 : i32, i32
  }
  func.func @transform_4(%arg0: i32) -> (i32, i32) {
    %c0_i32 = arith.constant 0 : i32
    %c0_i32_0 = arith.constant 0 : i32
    %c0_i32_1 = arith.constant 0 : i32
    return %c0_i32, %c0_i32_0 : i32, i32
  }
  func.func @transform_5(%arg0: i32) -> (i32, i32) {
    %c0_i32 = arith.constant 0 : i32
    %c0_i32_0 = arith.constant 0 : i32
    %c0_i32_1 = arith.constant 0 : i32
    return %c0_i32, %c0_i32_0 : i32, i32
  }
}

module attributes {stable_mosaic.version = 14 : i64} {
  func.func @_read_body(%arg0: i32, %arg1: memref<128x64xf32, #tpu.memory_space<vmem>>, %arg2: memref<1x1xi32, #tpu.memory_space<smem>>, %arg3: memref<128x64x128xf32, #tpu.memory_space<vmem>>, %arg4: memref<64x64xf32, #tpu.memory_space<vmem>>, %arg5: memref<128x64xf32, #tpu.memory_space<vmem>>) attributes {dimension_semantics = [#tpu.dimension_semantics<arbitrary>], iteration_bounds = array<i64: 8>, scalar_prefetch = 0 : i64, scratch_operands = 0 : i64, tpu.core_type = #tpu.core_type<tc>, window_params = [{transform_indices = @transform_0, window_bounds = array<i64: 128, 64>}, {transform_indices = @transform_1, window_bounds = array<i64: 1, 1>}, {transform_indices = @transform_2, window_bounds = array<i64: 128, 64, 128>}, {pipeline_mode = #tpu.pipeline_mode<synchronous>, transform_indices = @transform_3, window_bounds = array<i64: 64, 64>}, {transform_indices = @transform_4, window_bounds = array<i64: 128, 64>}]} {
    %get3A = arith.constant 0 : index
    %get3A_0 = arith.constant 0 : index
    %get3A_1 = vector.load %arg1[%get3A, %get3A_0] : memref<128x64xf32, #tpu.memory_space<vmem>>, vector<128x64xf32>
    %get3A_2 = arith.constant 0 : index
    %get3A_3 = arith.constant 0 : index
    %get3A_4 = memref.load %arg2[%get3A_2, %get3A_3] : memref<1x1xi32, #tpu.memory_space<smem>>
    %broadcast_in_dim3A = vector.shape_cast %get3A_1 : vector<128x64xf32> to vector<128x1x64xf32>
    %broadcast_in_dim3A_5 = vector.shape_cast %get3A_1 : vector<128x64xf32> to vector<128x64x1xf32>
    %gt3A = vector.broadcast %broadcast_in_dim3A : vector<128x1x64xf32> to vector<128x64x64xf32>
    %gt3A_6 = vector.broadcast %broadcast_in_dim3A_5 : vector<128x64x1xf32> to vector<128x64x64xf32>
    %gt3A_7 = arith.cmpf ogt, %gt3A, %gt3A_6 : vector<128x64x64xf32>
    %convert_element_type3A = arith.extui %gt3A_7 : vector<128x64x64xi1> to vector<128x64x64xi32>
    %convert_element_type3A_8 = arith.sitofp %convert_element_type3A : vector<128x64x64xi32> to vector<128x64x64xf32>
    %reduce_sum3A = arith.constant dense<0.000000e+00> : vector<128x64xf32>
    %reduce_sum3A_9 = vector.multi_reduction <add>, %convert_element_type3A_8, %reduce_sum3A [2] : vector<128x64x64xf32> to vector<128x64xf32>
    %reduce_max3A = arith.constant dense<0xFF800000> : vector<128xf32>
    %reduce_max3A_10 = vector.multi_reduction <maximumf>, %get3A_1, %reduce_max3A [1] : vector<128x64xf32> to vector<128xf32>
    %broadcast_in_dim3A_11 = vector.shape_cast %reduce_max3A_10 : vector<128xf32> to vector<128x1xf32>
    %sub3A = vector.broadcast %broadcast_in_dim3A_11 : vector<128x1xf32> to vector<128x64xf32>
    %sub3A_12 = arith.subf %get3A_1, %sub3A : vector<128x64xf32>
    %exp3A = math.exp %sub3A_12 : vector<128x64xf32>
    %convert_element_type3A_13 = arith.sitofp %get3A_4 : i32 to f32
    %lt3A = vector.broadcast %convert_element_type3A_13 : f32 to vector<128x64xf32>
    %lt3A_14 = arith.cmpf olt, %reduce_sum3A_9, %lt3A : vector<128x64xf32>
    %jit3A = arith.constant 0.000000e+00 : f32
    %broadcast_in_dim3A_15 = vector.broadcast %jit3A : f32 to vector<128x64xf32>
    %select_n3A = arith.select %lt3A_14, %exp3A, %broadcast_in_dim3A_15 : vector<128x64xi1>, vector<128x64xf32>
    %reduce_sum3A_16 = arith.constant dense<0.000000e+00> : vector<128xf32>
    %reduce_sum3A_17 = vector.multi_reduction <add>, %select_n3A, %reduce_sum3A_16 [1] : vector<128x64xf32> to vector<128xf32>
    %broadcast_in_dim3A_18 = vector.shape_cast %reduce_sum3A_17 : vector<128xf32> to vector<128x1xf32>
    %div3A = vector.broadcast %broadcast_in_dim3A_18 : vector<128x1xf32> to vector<128x64xf32>
    %div3A_19 = arith.divf %select_n3A, %div3A : vector<128x64xf32>
    %get3A_20 = arith.constant 0 : index
    %get3A_21 = arith.constant 0 : index
    %get3A_22 = arith.constant 0 : index
    %get3A_23 = vector.load %arg3[%get3A_20, %get3A_21, %get3A_22] : memref<128x64x128xf32, #tpu.memory_space<vmem>>, vector<128x64x128xf32>
    %broadcast_in_dim3A_24 = vector.shape_cast %div3A_19 : vector<128x64xf32> to vector<128x64x1xf32>
    %mul3A = vector.broadcast %broadcast_in_dim3A_24 : vector<128x64x1xf32> to vector<128x64x128xf32>
    %mul3A_25 = arith.mulf %mul3A, %get3A_23 : vector<128x64x128xf32>
    %reduce_sum3A_26 = arith.constant dense<0.000000e+00> : vector<128x128xf32>
    %reduce_sum3A_27 = vector.multi_reduction <add>, %mul3A_25, %reduce_sum3A_26 [1] : vector<128x64x128xf32> to vector<128x128xf32>
    %slice3A = vector.extract_strided_slice %reduce_sum3A_27 {offsets = [0, 0], sizes = [128, 64], strides = [1, 1]} : vector<128x128xf32> to vector<128x64xf32>
    %get3A_28 = arith.constant 0 : index
    %get3A_29 = arith.constant 0 : index
    %get3A_30 = vector.load %arg4[%get3A_28, %get3A_29] : memref<64x64xf32, #tpu.memory_space<vmem>>, vector<64x64xf32>
    %dot_general3A = arith.constant dense<0.000000e+00> : vector<128x64xf32>
    %dot_general3A_31 = tpu.matmul %slice3A, %get3A_30, %dot_general3A {dimension_numbers = #tpu.dot_dimension_numbers<[1], [1], [0], [0], [0, 0, 1, 0], [], []>, transpose_lhs_hint = false} : vector<128x64xf32>, vector<64x64xf32>, vector<128x64xf32> -> vector<128x64xf32>
    %swap3A = arith.constant 0 : index
    %swap3A_32 = arith.constant 0 : index
    %swap3A_33 = vector.load %arg5[%swap3A, %swap3A_32] : memref<128x64xf32, #tpu.memory_space<vmem>>, vector<128x64xf32>
    tpu.vector_store %arg5[%swap3A, %swap3A_32], %dot_general3A_31 {strides = array<i32>} : memref<128x64xf32, #tpu.memory_space<vmem>>, vector<128x64xf32>,
    return
  }
  func.func @transform_0(%arg0: i32) -> (i32, i32) {
    %c0_i32 = arith.constant 0 : i32
    %c0_i32_0 = arith.constant 0 : i32
    return %arg0, %c0_i32 : i32, i32
  }
  func.func @transform_1(%arg0: i32) -> (i32, i32) {
    %c0_i32 = arith.constant 0 : i32
    %c0_i32_0 = arith.constant 0 : i32
    %c0_i32_1 = arith.constant 0 : i32
    return %c0_i32, %c0_i32_0 : i32, i32
  }
  func.func @transform_2(%arg0: i32) -> (i32, i32, i32) {
    %c0_i32 = arith.constant 0 : i32
    %c0_i32_0 = arith.constant 0 : i32
    %c0_i32_1 = arith.constant 0 : i32
    return %arg0, %c0_i32, %c0_i32_0 : i32, i32, i32
  }
  func.func @transform_3(%arg0: i32) -> (i32, i32) {
    %c0_i32 = arith.constant 0 : i32
    %c0_i32_0 = arith.constant 0 : i32
    %c0_i32_1 = arith.constant 0 : i32
    return %c0_i32, %c0_i32_0 : i32, i32
  }
  func.func @transform_4(%arg0: i32) -> (i32, i32) {
    %c0_i32 = arith.constant 0 : i32
    %c0_i32_0 = arith.constant 0 : i32
    return %arg0, %c0_i32 : i32, i32
  }
}

</mosaic_0001>

<sc_bundles>
// kernel: kernel.5.cloned.1.call-start
scs
__scs_entry_jumppad:
0x0: {  	(pc) =	sbr.rel $0x88, $3  }
0x1: {  	(tag) =	ssettag $0x0;
	lr =	simm.s32 $0x1  }
0x2: {  	[smem:$0x3F9B] =	sst lr;
	_ =	strace $0xD0000000  }
0x3: {  	_ = 	snop  }
0x4: {  	_ = 	snop  }
0x5: {  	_ = 	snop  }
0x6: {  	_ = 	snop  }
0x7: {  	_ = 	snop  }
__scs_overlays_trampoline_lowered:
0x8: {  	[smem:$0x3FAA] =	sst s0  }
0x9: {  	[smem:$0x3FAB] =	sst s1  }
0xa: {  	[smem:$0x3FAC] =	sst s2  }
0xb: {  	[smem:$0x3FAD] =	sst s3  }
0xc: {  	[smem:$0x3FAE] =	sst s4  }
0xd: {  	[smem:$0x3FAF] =	sst s5  }
0xe: {  	[smem:$0x3FB0] =	sst s6  }
0xf: {  	[smem:$0x3FB1] =	sst s7  }
0x10: {  	[smem:$0x3FB2] =	sst s8  }
0x11: {  	[smem:$0x3FB3] =	sst s9;
	s0 =	simm.s32 @!p0 $0x0  }
0x12: {  	s1 =	sld [smem:$0x3F99];
	s0 =	simm.s32 @p0 $0x1  }
0x13: {  	[smem:$0x3FB4] =	sst s0;
	s0 =	simm.s32 @!p1 $0x0  }
0x14: {  	s2 =	sld [smem:$0x3F98];
	s0 =	simm.s32 @p1 $0x1  }
0x15: {  	[smem:$0x3FB5] =	sst s0;
	s0 =	simm.s32 @!p2 $0x0  }
0x16: {  	s3 =	sld [smem:$0x3FDB];
	s0 =	simm.s32 @p2 $0x1  }
0x17: {  	s4 =	simm.s32 $0x1BF5;
	[smem:$0x3FB7] =	sst s0  }
0x18: {  	s0 =	sld [smem:$0x3F9A];
	_ =	swait.ge [sflag:s4], $0x0  }
0x19: {  	s7 =	sld [smem:$0x3F9B]  }
0x1a: {  	s8 =	sadd.s32 $0xFFFFE003, lr  }
0x1b: {  	s9 =	sadd.s32 $0xFFFFFEF7, lr;
	s5 =	simm.s32 $0xFFFFFFFF;
	p2 =	slt.u32 s8, $0xFFFFF086  }
0x1c: {  	p1 =	slt.u32 s9, $0xF7A;
	s5 =	simm.s32 @!p2 $0x0  }
0x1d: {  	s5 =	simm.s32 @p1 $0x1;
	p0 =	seq.s32 s7, s2  }
0x1e: {  	s7 =	smul.u32 @!p0 $0xF7A, s2;
	p2 =	seq.s32 @!p0 s5, $0x0  }
0x1f: {  	s9 =	smul.u32 $0xF7A, s1;
	s8 =	simm.s32 @!p0 $0x1BF5;
	p2 =	por !p2, p0  }
0x20: {  	[sflag:s8] =	ssyncset.s32 @!p0 $0xFFFFF086;
	s6 =	sadd.s32 @!p0 s3, s7;
	s7 =	simm.s32 @!p0 $0x108  }
0x21: {  	s3 =	sadd.s32 s3, s9;
	s6 =	sadd.s32 @!p0 $0x88, s6;
	s7 =	simm.s32 @p2 $0x1082  }
0x22: {  	[simem:s7], [sflag:s8] =	dma.local @!p0 [hbm:s6], $0xF7A  }
0x23: {  	s9 =	sor.u32 $0xD0000000, s2;
	s6 =	simm.s32 $0x108;
	_ =	swait.ge @!p0 [sflag:s8], $0x0  }
0x24: {  	s3 =	sadd.s32 $0x88, s3;
	s6 =	simm.s32 @!p1 $0x1082;
	[sflag:s4] =	ssyncset.s32 $0xFFFFF086  }
0x25: {  	[simem:s6], [sflag:s4] =	dma.local [hbm:s3], $0xF7A  }
0x26: {  	[smem:$0x3F9B] =	sst s1;
	(tag) =	ssettag s2;
	_ =	strace s9  }
0x27: {  	s1 =	sld [smem:$0x3FAB]  }
0x28: {  	s2 =	sld [smem:$0x3FAC]  }
0x29: {  	s4 =	sld [smem:$0x3FAE]  }
0x2a: {  	p0 =	seq.s32 s5, $0x0;
	s5 =	sld [smem:$0x3FAF]  }
0x2b: {  	s6 =	sld [smem:$0x3FB0]  }
0x2c: {  	s7 =	sld [smem:$0x3FB1]  }
0x2d: {  	s3 =	simm.s32 $0x108;
	s8 =	sld [smem:$0x3FB2]  }
0x2e: {  	s3 =	simm.s32 @!p0 $0x1082;
	s9 =	sld [smem:$0x3FB3]  }
0x2f: {  	lr =	sadd.s32 s0, s3;
	s0 =	sld [smem:$0x3FAA]  }
0x30: {  	s3 =	sld [smem:$0x3FAD]  }
0x31: {  	[smem:$0x3FB6] =	sst s10  }
0x32: {  	s10 =	sld [smem:$0x3FB4];
	_ =	sdelay $0x3  }
0x33: {  	p0 =	seq.s32 s10, $0x1;
	s10 =	sld [smem:$0x3FB6];
	_ =	sdelay $0x3  }
0x34: {  	[smem:$0x3FB6] =	sst s10  }
0x35: {  	s10 =	sld [smem:$0x3FB5];
	_ =	sdelay $0x3  }
0x36: {  	p1 =	seq.s32 s10, $0x1;
	s10 =	sld [smem:$0x3FB6];
	_ =	sdelay $0x3  }
0x37: {  	[smem:$0x3FB6] =	sst s10  }
0x38: {  	s10 =	sld [smem:$0x3FB7]  }
0x39: {  	_ = 	snop;
	(pc) =	sbr.ind lr, $3  }
0x3a: {  	_ = 	snop  }
0x3b: {  	_ = 	snop  }
0x3c: {  	p2 =	seq.s32 s10, $0x1;
	s10 =	sld [smem:$0x3FB6]  }
0x3d: {  	_ =	shalt  }
0x3e: {  	_ =	shalt  }
0x3f: {  	_ =	shalt  }
0x40: {  	_ =	shalt  }
0x41: {  	_ =	shalt  }
0x42: {  	_ =	shalt  }
0x43: {  	_ =	shalt  }
0x44: {  	_ =	shalt  }
0x45: {  	_ =	shalt  }
0x46: {  	_ =	shalt  }
0x47: {  	_ =	shalt  }
0x48: {  	_ =	shalt  }
0x49: {  	_ =	shalt  }
0x4a: {  	_ =	shalt  }
0x4b: {  	_ =	shalt  }
0x4c: {  	_ =	shalt  }
0x4d: {  	_ =	shalt  }
0x4e: {  	_ =	shalt  }
0x4f: {  	_ =	shalt  }
0x50: {  	_ =	shalt  }
0x51: {  	_ =	shalt  }
0x52: {  	_ =	shalt  }
0x53: {  	_ =	shalt  }
0x54: {  	_ =	shalt  }
0x55: {  	_ =	shalt  }
0x56: {  	_ =	shalt  }
0x57: {  	_ =	shalt  }
0x58: {  	_ =	shalt  }
0x59: {  	_ =	shalt  }
0x5a: {  	_ =	shalt  }
0x5b: {  	_ =	shalt  }
0x5c: {  	_ =	shalt  }
0x5d: {  	_ =	shalt  }
0x5e: {  	_ =	shalt  }
0x5f: {  	_ =	shalt  }
0x60: {  	_ =	shalt  }
0x61: {  	_ =	shalt  }
0x62: {  	_ =	shalt  }
0x63: {  	_ =	shalt  }
0x64: {  	_ =	shalt  }
0x65: {  	_ =	shalt  }
0x66: {  	_ =	shalt  }
0x67: {  	_ =	shalt  }
0x68: {  	_ =	shalt  }
0x69: {  	_ =	shalt  }
0x6a: {  	_ =	shalt  }
0x6b: {  	_ =	shalt  }
0x6c: {  	_ =	shalt  }
0x6d: {  	_ =	shalt  }
0x6e: {  	_ =	shalt  }
0x6f: {  	_ =	shalt  }
0x70: {  	_ =	shalt  }
0x71: {  	_ =	shalt  }
0x72: {  	_ =	shalt  }
0x73: {  	_ =	shalt  }
0x74: {  	_ =	shalt  }
0x75: {  	_ =	shalt  }
0x76: {  	_ =	shalt  }
0x77: {  	_ =	shalt  }
0x78: {  	_ =	shalt  }
0x79: {  	_ =	shalt  }
0x7a: {  	_ =	shalt  }
0x7b: {  	_ =	shalt  }
0x7c: {  	_ =	shalt  }
0x7d: {  	_ =	shalt  }
0x7e: {  	_ =	shalt  }
0x7f: {  	_ =	shalt  }
0x80: {  	_ =	shalt  }
0x81: {  	_ =	shalt  }
0x82: {  	_ =	shalt  }
0x83: {  	_ =	shalt  }
0x84: {  	_ =	shalt  }
0x85: {  	_ =	shalt  }
0x86: {  	_ =	shalt  }
0x87: {  	_ =	shalt  }
.Lfunc_end0:
.L_simem_size_0:
called_computation_lowered:
.L_overlay_start_0:
0x88: {  	s2 =	sld [smem:$0x3FD9]  }
0x89: {  	s3 =	sld [smem:$0x3FFE];
	_ =	sdelay $0x1  }
0x8a: {  	s1 =	srdreg.scid  }
0x8b: {  	s0 =	sand.u32 $0x1, s1  }
0x8c: {  	s17 =	sshll.u32 s0, $0xA;
	s2 =	sadd.s32 s3, s2  }
0x8d: {  	s2 =	sadd.s32 s2, s17  }
0x8e: {  	[smem:$0x3FC2] =	sst s2  }
0x8f: {  	_ = 	snop  }
0x90: {  	s2 =	sld [smem:$0x3FD0];
	(tm) =	ssettm $0x1  }
0x91: {  	s18 =	sld [smem:$0x3FFB];
	_ =	sdelay $0x3  }
0x92: {  	_ =	strace s18  }
0x93: {  	s3 =	sld [smem:$0x3FFC];
	_ =	sdelay $0x3  }
0x94: {  	_ =	strace s3  }
0x95: {  	s3 =	sld [smem:$0x3FFD];
	_ =	sdelay $0x3  }
0x96: {  	_ =	strace s3  }
0x97: {  	_ =	strace $0x8FFFFFFF  }
0x98: {  	s19 =	sld [smem:$0x3FDB];
	_ =	sdelay $0x1  }
0x99: {  	s4 =	simm.s32 $_scs_section_size  }
0x9a: {  	s5 =	simm.s32 $_size__tile_overlayer_lowered;
	s6 =	simm.s32 $_tile_overlayer_lowered  }
0x9b: {  	s22 =	simm.s32 $0x1BFF;
	s21 =	sshll.u32 s6, $0x1;
	s3 =	sadd.s32 s4, s19  }
0x9c: {  	s7 =	simm.s32 $0x0;
	s20 =	sshll.u32 s5, $0x1;
	s5 =	sadd.s32 s21, s3  }
0x9d: {  	[timem:s7], [sflag:s22] =	dma.local [hbm:s5], s20  }
0x9e: {  	_ =	swait.ge [sflag:s22], s20  }
0x9f: {  	s4 =	ssub.s32 $0x0, s20;
	[sflag:s22] =	ssyncset.done $0x0  }
0xa0: {  	[sflag:s22] =	ssyncadd.s32 s4;
	_ =	sdelay $0x1  }
0xa1: {  	s23 =	simm.s32 $0x1B8B  }
0xa2: {  	_ =	swait.ge [sflag:s23], $0x1  }
0xa3: {  	[sflag:s23] =	ssyncset.done $0x0  }
0xa4: {  	s25 =	simm.s32 $0x1B8E;
	s24 =	sld [smem:$0x3FFE];
	[sflag:s23] =	ssyncadd.s32 $0xFFFFFFFF  }
0xa5: {  	s26 =	simm.s32 $execute0_lowered;
	[smem:$0x3FD2] =	sst s25  }
0xa6: {  	s5 =	sshll.u32 s26, $0x1;
	_ =	strace $0x80000046;
	[dreg:$0x1] =	wrdreg $0xFFFFFFFF  }
0xa7: {  	s28 =	simm.s32 $_size_execute0_lowered;
	s3 =	sadd.s32 s3, s5;
	[dreg:$0x0] =	wrdreg $0x0  }
0xa8: {  	s5 =	sshll.u32 s28, $0x1;
	[dreg:$0x2] =	wrdreg s3  }
0xa9: {  	[dreg:$0x3] =	wrdreg s5  }
0xaa: {  	[dreg:$0x4] =	wrdreg $0xC0  }
0xab: {  	_ =	task [dreg:s7], $0x5FFFF  }
0xac: {  	[dreg:$0x1] =	wrdreg $0xFFFFFFFF  }
0xad: {  	[dreg:$0x0] =	wrdreg $0x60  }
0xae: {  	[dreg:$0x2] =	wrdreg s2  }
0xaf: {  	[dreg:$0x3] =	wrdreg s24  }
0xb0: {  	[dreg:$0x4] =	wrdreg $0x9  }
0xb1: {  	_ =	task.clear_ibuf [dreg:s7], $0x5FFFF;
	_ =	strace $0x90000046  }
0xb2: {  	s29 =	simm.s32 $0x9;
	_ =	strace $0x80000048  }
0xb3: {  	_ =	swait.ge [sflag:s29], $0x1  }
0xb4: {  	[sflag:s29] =	ssyncadd.s32 $0xFFFFFFFF  }
0xb5: {  	_ =	strace $0x90000048  }
0xb6: {  	_ =	sfence  }
0xb7: {  	s30 =	sld [smem:$0x0];
	_ =	sdelay $0x2  }
0xb8: {  	s31 =	sshll.u32 s1, $0xD;
	s1 =	sshrl.u32 s1, $0x2  }
0xb9: {  	s3 =	sand.u32 $0x4000, s31;
	s1 =	sadd.s32 s1, s30  }
0xba: {  	s0 =	sor.u32 s3, s0;
	s1 =	sshll.u32 s1, $0x11  }
0xbb: {  	s0 =	sor.u32 s1, s0  }
0xbc: {  	s0 =	sadd.s32 $0x8F2B, s0  }
0xbd: {  	[sflag:s0] =	ssyncadd.remote.s32 $0x1  }
0xbe: {  	_ =	sfence.sel $0xFFFF  }
0xbf: {  	[dreg:$0x0] =	wrdreg $0xFFFFFFFF;
	(pc) =	sbr.abs _section_cstart, $3  }
0xc0: {  	[dreg:$0x1] =	wrdreg $0xFFFFFFFF  }
0xc1: {  	_ =	task.clear_ibuf [dreg:s7], $0x2FFFF;
	_ =	strace $0x9FFFFFFF  }
0xc2: {  	(tm) =	ssettm $0x7FFFFFFF  }
0xc3: {  	_ =	shalt  }
tec
execute0_lowered:
.L_overlay_start_1:
0x0: {  	(tag) =	ssettag $0x1  }
0x1: {  	s31 =	rddreg [dreg:$0x0];
	s1 =	srdreg.scid  }
0x2: {  	s4 =	rddreg [dreg:$0x1];
	s0 =	stileid.u32;
	s1 =	sand.u32 $0x1, s1  }
0x3: {  	s2 =	simm.s32 $0x0;
	s3 =	sshll.u32 s0, $0xC;
	s5 =	sshll.u32 s1, $0xB  }
0x4: {  	[smem:$0x7FF] =	sst s2;
	s0 =	sadd.s32 $0xE00, s4;
	s30 =	sor.u32 s5, s3  }
0x5: {  	_ =	strace $0x80000047;
	s3 =	sshrl.u32 s30, $0x3;
	s5 =	sshll.u32 s30, $0x4  }
0x6: {  	s9 =	sor.u32 $0x80, s30;
	s6 =	sor.u32 $0x100, s30;
	s3 =	sadd.s32 s31, s3  }
0x7: {  	s8 =	sadd.s32 s0, s5;
	s10 =	sshrl.u32 s9, $0x3;
	[dreg:$0x3] =	wrdreg s3  }
0x8: {  	s5 =	sshll.u32 s9, $0x4;
	[dreg:$0x4] =	wrdreg s8;
	s3 =	sadd.s32 s31, s10  }
0x9: {  	s12 =	sshrl.u32 s6, $0x3;
	s11 =	sadd.s32 s0, s5;
	[dreg:$0x5] =	wrdreg s3  }
0xa: {  	s14 =	sshll.u32 s6, $0x4;
	s13 =	sadd.s32 s31, s12;
	[dreg:$0x6] =	wrdreg s11  }
0xb: {  	s16 =	sor.u32 $0x180, s30;
	s15 =	sadd.s32 s0, s14;
	[dreg:$0x7] =	wrdreg s13  }
0xc: {  	s17 =	sshrl.u32 s16, $0x3;
	[dreg:$0x8] =	wrdreg s15  }
0xd: {  	s5 =	sshll.u32 s16, $0x4;
	s3 =	sadd.s32 s31, s17;
	s18 =	rddreg [dreg:$0x3]  }
0xe: {  	s19 =	sadd.s32 s0, s5;
	[dreg:$0x9] =	wrdreg s3  }
0xf: {  	[dreg:$0xa] =	wrdreg s19;
	s3 =	simm.s32 $0x2  }
0x10: {  	[tilespmem:s2], [sflag:$0x2] =	stream.linear.gather [hbm4b:s18+s2], $0x80, $0x38;
	[tilespmem:$0x4080] =	vst v63  }
0x11: {  	_ =	swait.ge [sflag:s3], $0x80  }
0x12: {  	s4 =	sadd.s32 $0x187800, s4;
	[sflag:s3] =	ssyncset.done $0x0  }
0x13: {  	s6 =	simm.s32 $0x1;
	s5 =	simm.s32 $0x80;
	[sflag:s3] =	ssyncadd.s32 $0xFFFFFF80  }
0x14: {  	[tilespmem:s5], [sflag:$0x1] =	stream.indirect.gather [hbm4b:s4+s5], $0x80, s2, s5, $0xb8;
	[tilespmem:$0x4080] =	vst v63  }
0x15: {  	_ =	swait.ge [sflag:s6], $0x4000  }
0x16: {  	[sflag:s6] =	ssyncset.done $0x0  }
0x17: {  	s7 =	rddreg [dreg:$0x4];
	[sflag:s6] =	ssyncadd.s32 $0xFFFFC000  }
0x18: {  	[hbm4b:s7+s2] =	stream.linear.scatter [tilespmem:s5], [sflag:$0x2], $0x4000, $0x38;
	[tilespmem:$0x4080] =	vst v63  }
0x19: {  	_ =	swait.ge [sflag:s3], $0x4000  }
0x1a: {  	[sflag:s3] =	ssyncset.done $0x0  }
0x1b: {  	s20 =	rddreg [dreg:$0x5];
	[sflag:s3] =	ssyncadd.s32 $0xFFFFC000  }
0x1c: {  	[tilespmem:s2], [sflag:$0x2] =	stream.linear.gather [hbm4b:s20+s2], $0x80, $0x38;
	[tilespmem:$0x4080] =	vst v63  }
0x1d: {  	_ =	swait.ge [sflag:s3], $0x80  }
0x1e: {  	[sflag:s3] =	ssyncset.done $0x0  }
0x1f: {  	[sflag:s3] =	ssyncadd.s32 $0xFFFFFF80  }
0x20: {  	[tilespmem:s5], [sflag:$0x1] =	stream.indirect.gather [hbm4b:s4+s5], $0x80, s2, s5, $0xb8;
	[tilespmem:$0x4080] =	vst v63  }
0x21: {  	_ =	swait.ge [sflag:s6], $0x4000  }
0x22: {  	[sflag:s6] =	ssyncset.done $0x0  }
0x23: {  	s21 =	rddreg [dreg:$0x6];
	[sflag:s6] =	ssyncadd.s32 $0xFFFFC000  }
0x24: {  	[hbm4b:s21+s2] =	stream.linear.scatter [tilespmem:s5], [sflag:$0x2], $0x4000, $0x38;
	[tilespmem:$0x4080] =	vst v63  }
0x25: {  	_ =	swait.ge [sflag:s3], $0x4000  }
0x26: {  	[sflag:s3] =	ssyncset.done $0x0  }
0x27: {  	s22 =	rddreg [dreg:$0x7];
	[sflag:s3] =	ssyncadd.s32 $0xFFFFC000  }
0x28: {  	[tilespmem:s2], [sflag:$0x2] =	stream.linear.gather [hbm4b:s22+s2], $0x80, $0x38;
	[tilespmem:$0x4080] =	vst v63  }
0x29: {  	_ =	swait.ge [sflag:s3], $0x80  }
0x2a: {  	[sflag:s3] =	ssyncset.done $0x0  }
0x2b: {  	[sflag:s3] =	ssyncadd.s32 $0xFFFFFF80  }
0x2c: {  	[tilespmem:s5], [sflag:$0x1] =	stream.indirect.gather [hbm4b:s4+s5], $0x80, s2, s5, $0xb8;
	[tilespmem:$0x4080] =	vst v63  }
0x2d: {  	_ =	swait.ge [sflag:s6], $0x4000  }
0x2e: {  	[sflag:s6] =	ssyncset.done $0x0  }
0x2f: {  	s23 =	rddreg [dreg:$0x8];
	[sflag:s6] =	ssyncadd.s32 $0xFFFFC000  }
0x30: {  	[hbm4b:s23+s2] =	stream.linear.scatter [tilespmem:s5], [sflag:$0x2], $0x4000, $0x38;
	[tilespmem:$0x4080] =	vst v63  }
0x31: {  	_ =	swait.ge [sflag:s3], $0x4000  }
0x32: {  	[sflag:s3] =	ssyncset.done $0x0  }
0x33: {  	s24 =	rddreg [dreg:$0x9];
	[sflag:s3] =	ssyncadd.s32 $0xFFFFC000  }
0x34: {  	[tilespmem:s2], [sflag:$0x2] =	stream.linear.gather [hbm4b:s24+s2], $0x80, $0x38;
	[tilespmem:$0x4080] =	vst v63  }
0x35: {  	_ =	swait.ge [sflag:s3], $0x80  }
0x36: {  	[sflag:s3] =	ssyncset.done $0x0  }
0x37: {  	[sflag:s3] =	ssyncadd.s32 $0xFFFFFF80  }
0x38: {  	[tilespmem:s5], [sflag:$0x1] =	stream.indirect.gather [hbm4b:s4+s5], $0x80, s2, s5, $0xb8;
	[tilespmem:$0x4080] =	vst v63  }
0x39: {  	_ =	swait.ge [sflag:s6], $0x4000  }
0x3a: {  	[sflag:s6] =	ssyncset.done $0x0  }
0x3b: {  	s25 =	rddreg [dreg:$0xa];
	[sflag:s6] =	ssyncadd.s32 $0xFFFFC000  }
0x3c: {  	[hbm4b:s25+s2] =	stream.linear.scatter [tilespmem:s5], [sflag:$0x2], $0x4000, $0x38;
	[tilespmem:$0x4080] =	vst v63  }
0x3d: {  	s8 =	sor.u32 $0x200, s30;
	_ =	swait.ge [sflag:s3], $0x4000  }
0x3e: {  	s26 =	sshrl.u32 s8, $0x3;
	[sflag:s3] =	ssyncset.done $0x0  }
0x3f: {  	s7 =	sadd.s32 s31, s26;
	[sflag:s3] =	ssyncadd.s32 $0xFFFFC000  }
0x40: {  	[tilespmem:s2], [sflag:$0x2] =	stream.linear.gather [hbm4b:s7+s2], $0x80, $0x38;
	[tilespmem:$0x4080] =	vst v63  }
0x41: {  	_ =	swait.ge [sflag:s3], $0x80  }
0x42: {  	[sflag:s3] =	ssyncset.done $0x0  }
0x43: {  	[sflag:s3] =	ssyncadd.s32 $0xFFFFFF80  }
0x44: {  	[tilespmem:s5], [sflag:$0x1] =	stream.indirect.gather [hbm4b:s4+s5], $0x80, s2, s5, $0xb8;
	[tilespmem:$0x4080] =	vst v63  }
0x45: {  	_ =	swait.ge [sflag:s6], $0x4000  }
0x46: {  	s8 =	sshll.u32 s8, $0x4;
	[sflag:s6] =	ssyncset.done $0x0  }
0x47: {  	s8 =	sadd.s32 s0, s8;
	[sflag:s6] =	ssyncadd.s32 $0xFFFFC000  }
0x48: {  	[hbm4b:s8+s2] =	stream.linear.scatter [tilespmem:s5], [sflag:$0x2], $0x4000, $0x38;
	[tilespmem:$0x4080] =	vst v63  }
0x49: {  	s10 =	sor.u32 $0x280, s30;
	_ =	swait.ge [sflag:s3], $0x4000  }
0x4a: {  	s9 =	sshrl.u32 s10, $0x3;
	[sflag:s3] =	ssyncset.done $0x0  }
0x4b: {  	s9 =	sadd.s32 s31, s9;
	[sflag:s3] =	ssyncadd.s32 $0xFFFFC000  }
0x4c: {  	[tilespmem:s2], [sflag:$0x2] =	stream.linear.gather [hbm4b:s9+s2], $0x80, $0x38;
	[tilespmem:$0x4080] =	vst v63  }
0x4d: {  	_ =	swait.ge [sflag:s3], $0x80  }
0x4e: {  	[sflag:s3] =	ssyncset.done $0x0  }
0x4f: {  	[sflag:s3] =	ssyncadd.s32 $0xFFFFFF80  }
0x50: {  	[tilespmem:s5], [sflag:$0x1] =	stream.indirect.gather [hbm4b:s4+s5], $0x80, s2, s5, $0xb8;
	[tilespmem:$0x4080] =	vst v63  }
0x51: {  	_ =	swait.ge [sflag:s6], $0x4000  }
0x52: {  	s10 =	sshll.u32 s10, $0x4;
	[sflag:s6] =	ssyncset.done $0x0  }
0x53: {  	s10 =	sadd.s32 s0, s10;
	[sflag:s6] =	ssyncadd.s32 $0xFFFFC000  }
0x54: {  	[hbm4b:s10+s2] =	stream.linear.scatter [tilespmem:s5], [sflag:$0x2], $0x4000, $0x38;
	[tilespmem:$0x4080] =	vst v63  }
0x55: {  	s12 =	sor.u32 $0x300, s30;
	_ =	swait.ge [sflag:s3], $0x4000  }
0x56: {  	s11 =	sshrl.u32 s12, $0x3;
	[sflag:s3] =	ssyncset.done $0x0  }
0x57: {  	s11 =	sadd.s32 s31, s11;
	[sflag:s3] =	ssyncadd.s32 $0xFFFFC000  }
0x58: {  	[tilespmem:s2], [sflag:$0x2] =	stream.linear.gather [hbm4b:s11+s2], $0x80, $0x38;
	[tilespmem:$0x4080] =	vst v63  }
0x59: {  	_ =	swait.ge [sflag:s3], $0x80  }
0x5a: {  	[sflag:s3] =	ssyncset.done $0x0  }
0x5b: {  	[sflag:s3] =	ssyncadd.s32 $0xFFFFFF80  }
0x5c: {  	[tilespmem:s5], [sflag:$0x1] =	stream.indirect.gather [hbm4b:s4+s5], $0x80, s2, s5, $0xb8;
	[tilespmem:$0x4080] =	vst v63  }
0x5d: {  	_ =	swait.ge [sflag:s6], $0x4000  }
0x5e: {  	s12 =	sshll.u32 s12, $0x4;
	[sflag:s6] =	ssyncset.done $0x0  }
0x5f: {  	s12 =	sadd.s32 s0, s12;
	[sflag:s6] =	ssyncadd.s32 $0xFFFFC000  }
0x60: {  	[hbm4b:s12+s2] =	stream.linear.scatter [tilespmem:s5], [sflag:$0x2], $0x4000, $0x38;
	[tilespmem:$0x4080] =	vst v63  }
0x61: {  	s14 =	sor.u32 $0x380, s30;
	_ =	swait.ge [sflag:s3], $0x4000  }
0x62: {  	s13 =	sshrl.u32 s14, $0x3;
	[sflag:s3] =	ssyncset.done $0x0  }
0x63: {  	s13 =	sadd.s32 s31, s13;
	[sflag:s3] =	ssyncadd.s32 $0xFFFFC000  }
0x64: {  	[tilespmem:s2], [sflag:$0x2] =	stream.linear.gather [hbm4b:s13+s2], $0x80, $0x38;
	[tilespmem:$0x4080] =	vst v63  }
0x65: {  	_ =	swait.ge [sflag:s3], $0x80  }
0x66: {  	[sflag:s3] =	ssyncset.done $0x0  }
0x67: {  	[sflag:s3] =	ssyncadd.s32 $0xFFFFFF80  }
0x68: {  	[tilespmem:s5], [sflag:$0x1] =	stream.indirect.gather [hbm4b:s4+s5], $0x80, s2, s5, $0xb8;
	[tilespmem:$0x4080] =	vst v63  }
0x69: {  	_ =	swait.ge [sflag:s6], $0x4000  }
0x6a: {  	s14 =	sshll.u32 s14, $0x4;
	[sflag:s6] =	ssyncset.done $0x0  }
0x6b: {  	s14 =	sadd.s32 s0, s14;
	[sflag:s6] =	ssyncadd.s32 $0xFFFFC000  }
0x6c: {  	[hbm4b:s14+s2] =	stream.linear.scatter [tilespmem:s5], [sflag:$0x2], $0x4000, $0x38;
	[tilespmem:$0x4080] =	vst v63  }
0x6d: {  	s16 =	sor.u32 $0x400, s30;
	_ =	swait.ge [sflag:s3], $0x4000  }
0x6e: {  	s15 =	sshrl.u32 s16, $0x3;
	[sflag:s3] =	ssyncset.done $0x0  }
0x6f: {  	s15 =	sadd.s32 s31, s15;
	[sflag:s3] =	ssyncadd.s32 $0xFFFFC000  }
0x70: {  	[tilespmem:s2], [sflag:$0x2] =	stream.linear.gather [hbm4b:s15+s2], $0x80, $0x38;
	[tilespmem:$0x4080] =	vst v63  }
0x71: {  	_ =	swait.ge [sflag:s3], $0x80  }
0x72: {  	[sflag:s3] =	ssyncset.done $0x0  }
0x73: {  	[sflag:s3] =	ssyncadd.s32 $0xFFFFFF80  }
0x74: {  	[tilespmem:s5], [sflag:$0x1] =	stream.indirect.gather [hbm4b:s4+s5], $0x80, s2, s5, $0xb8;
	[tilespmem:$0x4080] =	vst v63  }
0x75: {  	_ =	swait.ge [sflag:s6], $0x4000  }
0x76: {  	s16 =	sshll.u32 s16, $0x4;
	[sflag:s6] =	ssyncset.done $0x0  }
0x77: {  	s16 =	sadd.s32 s0, s16;
	[sflag:s6] =	ssyncadd.s32 $0xFFFFC000  }
0x78: {  	[hbm4b:s16+s2] =	stream.linear.scatter [tilespmem:s5], [sflag:$0x2], $0x4000, $0x38;
	[tilespmem:$0x4080] =	vst v63  }
0x79: {  	s18 =	sor.u32 $0x480, s30;
	_ =	swait.ge [sflag:s3], $0x4000  }
0x7a: {  	s17 =	sshrl.u32 s18, $0x3;
	[sflag:s3] =	ssyncset.done $0x0  }
0x7b: {  	s17 =	sadd.s32 s31, s17;
	[sflag:s3] =	ssyncadd.s32 $0xFFFFC000  }
0x7c: {  	[tilespmem:s2], [sflag:$0x2] =	stream.linear.gather [hbm4b:s17+s2], $0x80, $0x38;
	[tilespmem:$0x4080] =	vst v63  }
0x7d: {  	_ =	swait.ge [sflag:s3], $0x80  }
0x7e: {  	[sflag:s3] =	ssyncset.done $0x0  }
0x7f: {  	[sflag:s3] =	ssyncadd.s32 $0xFFFFFF80  }
0x80: {  	[tilespmem:s5], [sflag:$0x1] =	stream.indirect.gather [hbm4b:s4+s5], $0x80, s2, s5, $0xb8;
	[tilespmem:$0x4080] =	vst v63  }
0x81: {  	_ =	swait.ge [sflag:s6], $0x4000  }
0x82: {  	s18 =	sshll.u32 s18, $0x4;
	[sflag:s6] =	ssyncset.done $0x0  }
0x83: {  	s18 =	sadd.s32 s0, s18;
	[sflag:s6] =	ssyncadd.s32 $0xFFFFC000  }
0x84: {  	[hbm4b:s18+s2] =	stream.linear.scatter [tilespmem:s5], [sflag:$0x2], $0x4000, $0x38;
	[tilespmem:$0x4080] =	vst v63  }
0x85: {  	s20 =	sor.u32 $0x500, s30;
	_ =	swait.ge [sflag:s3], $0x4000  }
0x86: {  	s19 =	sshrl.u32 s20, $0x3;
	[sflag:s3] =	ssyncset.done $0x0  }
0x87: {  	s19 =	sadd.s32 s31, s19;
	[sflag:s3] =	ssyncadd.s32 $0xFFFFC000  }
0x88: {  	[tilespmem:s2], [sflag:$0x2] =	stream.linear.gather [hbm4b:s19+s2], $0x80, $0x38;
	[tilespmem:$0x4080] =	vst v63  }
0x89: {  	_ =	swait.ge [sflag:s3], $0x80  }
0x8a: {  	[sflag:s3] =	ssyncset.done $0x0  }
0x8b: {  	[sflag:s3] =	ssyncadd.s32 $0xFFFFFF80  }
0x8c: {  	[tilespmem:s5], [sflag:$0x1] =	stream.indirect.gather [hbm4b:s4+s5], $0x80, s2, s5, $0xb8;
	[tilespmem:$0x4080] =	vst v63  }
0x8d: {  	_ =	swait.ge [sflag:s6], $0x4000  }
0x8e: {  	s20 =	sshll.u32 s20, $0x4;
	[sflag:s6] =	ssyncset.done $0x0  }
0x8f: {  	s20 =	sadd.s32 s0, s20;
	[sflag:s6] =	ssyncadd.s32 $0xFFFFC000  }
0x90: {  	[hbm4b:s20+s2] =	stream.linear.scatter [tilespmem:s5], [sflag:$0x2], $0x4000, $0x38;
	[tilespmem:$0x4080] =	vst v63  }
0x91: {  	s22 =	sor.u32 $0x580, s30;
	_ =	swait.ge [sflag:s3], $0x4000  }
0x92: {  	s21 =	sshrl.u32 s22, $0x3;
	[sflag:s3] =	ssyncset.done $0x0  }
0x93: {  	s21 =	sadd.s32 s31, s21;
	[sflag:s3] =	ssyncadd.s32 $0xFFFFC000  }
0x94: {  	[tilespmem:s2], [sflag:$0x2] =	stream.linear.gather [hbm4b:s21+s2], $0x80, $0x38;
	[tilespmem:$0x4080] =	vst v63  }
0x95: {  	_ =	swait.ge [sflag:s3], $0x80  }
0x96: {  	[sflag:s3] =	ssyncset.done $0x0  }
0x97: {  	[sflag:s3] =	ssyncadd.s32 $0xFFFFFF80  }
0x98: {  	[tilespmem:s5], [sflag:$0x1] =	stream.indirect.gather [hbm4b:s4+s5], $0x80, s2, s5, $0xb8;
	[tilespmem:$0x4080] =	vst v63  }
0x99: {  	_ =	swait.ge [sflag:s6], $0x4000  }
0x9a: {  	s22 =	sshll.u32 s22, $0x4;
	[sflag:s6] =	ssyncset.done $0x0  }
0x9b: {  	s22 =	sadd.s32 s0, s22;
	[sflag:s6] =	ssyncadd.s32 $0xFFFFC000  }
0x9c: {  	[hbm4b:s22+s2] =	stream.linear.scatter [tilespmem:s5], [sflag:$0x2], $0x4000, $0x38;
	[tilespmem:$0x4080] =	vst v63  }
0x9d: {  	s24 =	sor.u32 $0x600, s30;
	_ =	swait.ge [sflag:s3], $0x4000  }
0x9e: {  	s23 =	sshrl.u32 s24, $0x3;
	[sflag:s3] =	ssyncset.done $0x0  }
0x9f: {  	s23 =	sadd.s32 s31, s23;
	[sflag:s3] =	ssyncadd.s32 $0xFFFFC000  }
0xa0: {  	[tilespmem:s2], [sflag:$0x2] =	stream.linear.gather [hbm4b:s23+s2], $0x80, $0x38;
	[tilespmem:$0x4080] =	vst v63  }
0xa1: {  	_ =	swait.ge [sflag:s3], $0x80  }
0xa2: {  	[sflag:s3] =	ssyncset.done $0x0  }
0xa3: {  	[sflag:s3] =	ssyncadd.s32 $0xFFFFFF80  }
0xa4: {  	[tilespmem:s5], [sflag:$0x1] =	stream.indirect.gather [hbm4b:s4+s5], $0x80, s2, s5, $0xb8;
	[tilespmem:$0x4080] =	vst v63  }
0xa5: {  	_ =	swait.ge [sflag:s6], $0x4000  }
0xa6: {  	s24 =	sshll.u32 s24, $0x4;
	[sflag:s6] =	ssyncset.done $0x0  }
0xa7: {  	s24 =	sadd.s32 s0, s24;
	[sflag:s6] =	ssyncadd.s32 $0xFFFFC000  }
0xa8: {  	[hbm4b:s24+s2] =	stream.linear.scatter [tilespmem:s5], [sflag:$0x2], $0x4000, $0x38;
	[tilespmem:$0x4080] =	vst v63  }
0xa9: {  	s26 =	sor.u32 $0x680, s30;
	_ =	swait.ge [sflag:s3], $0x4000  }
0xaa: {  	s25 =	sshrl.u32 s26, $0x3;
	[sflag:s3] =	ssyncset.done $0x0  }
0xab: {  	s25 =	sadd.s32 s31, s25;
	[sflag:s3] =	ssyncadd.s32 $0xFFFFC000  }
0xac: {  	[tilespmem:s2], [sflag:$0x2] =	stream.linear.gather [hbm4b:s25+s2], $0x80, $0x38;
	[tilespmem:$0x4080] =	vst v63  }
0xad: {  	_ =	swait.ge [sflag:s3], $0x80  }
0xae: {  	[sflag:s3] =	ssyncset.done $0x0  }
0xaf: {  	[sflag:s3] =	ssyncadd.s32 $0xFFFFFF80  }
0xb0: {  	[tilespmem:s5], [sflag:$0x1] =	stream.indirect.gather [hbm4b:s4+s5], $0x80, s2, s5, $0xb8;
	[tilespmem:$0x4080] =	vst v63  }
0xb1: {  	_ =	swait.ge [sflag:s6], $0x4000  }
0xb2: {  	s26 =	sshll.u32 s26, $0x4;
	[sflag:s6] =	ssyncset.done $0x0  }
0xb3: {  	s26 =	sadd.s32 s0, s26;
	[dreg:$0xb] =	wrdreg s0;
	[sflag:s6] =	ssyncadd.s32 $0xFFFFC000  }
0xb4: {  	[hbm4b:s26+s2] =	stream.linear.scatter [tilespmem:s5], [sflag:$0x2], $0x4000, $0x38;
	[tilespmem:$0x4080] =	vst v63  }
0xb5: {  	s29 =	sor.u32 $0x700, s30;
	_ =	swait.ge [sflag:s3], $0x4000  }
0xb6: {  	s28 =	sshrl.u32 s29, $0x3;
	[sflag:s3] =	ssyncset.done $0x0  }
0xb7: {  	s28 =	sadd.s32 s31, s28;
	[sflag:s3] =	ssyncadd.s32 $0xFFFFC000  }
0xb8: {  	[tilespmem:s2], [sflag:$0x2] =	stream.linear.gather [hbm4b:s28+s2], $0x80, $0x38;
	[tilespmem:$0x4080] =	vst v63  }
0xb9: {  	_ =	swait.ge [sflag:s3], $0x80  }
0xba: {  	[sflag:s3] =	ssyncset.done $0x0  }
0xbb: {  	[sflag:s3] =	ssyncadd.s32 $0xFFFFFF80  }
0xbc: {  	[tilespmem:s5], [sflag:$0x1] =	stream.indirect.gather [hbm4b:s4+s5], $0x80, s2, s5, $0xb8;
	[tilespmem:$0x4080] =	vst v63  }
0xbd: {  	_ =	swait.ge [sflag:s6], $0x4000  }
0xbe: {  	s29 =	sshll.u32 s29, $0x4;
	[sflag:s6] =	ssyncset.done $0x0  }
0xbf: {  	s29 =	sadd.s32 s0, s29;
	[sflag:s6] =	ssyncadd.s32 $0xFFFFC000  }
0xc0: {  	[hbm4b:s29+s2] =	stream.linear.scatter [tilespmem:s5], [sflag:$0x2], $0x4000, $0x38;
	[tilespmem:$0x4080] =	vst v63  }
0xc1: {  	s0 =	sor.u32 $0x780, s30;
	_ =	swait.ge [sflag:s3], $0x4000  }
0xc2: {  	s1 =	ssub.s32 $0x2, s1;
	s30 =	sshrl.u32 s0, $0x3;
	[sflag:s3] =	ssyncset.done $0x0  }
0xc3: {  	s30 =	sadd.s32 s31, s30;
	s31 =	sshrl.u32 s1, $0x1;
	[sflag:s3] =	ssyncadd.s32 $0xFFFFC000  }
0xc4: {  	[tilespmem:s2], [sflag:$0x2] =	stream.linear.gather [hbm4b:s30+s2], $0x80, $0x38;
	[tilespmem:$0x4080] =	vst v63  }
0xc5: {  	s1 =	ssub.s32 s1, s31;
	_ =	swait.ge [sflag:s3], $0x80  }
0xc6: {  	s1 =	smax.u32 s1, $0x1;
	[sflag:s3] =	ssyncset.done $0x0  }
0xc7: {  	p0 =	sne.s32 s1, $0x1;
	[sflag:s3] =	ssyncadd.s32 $0xFFFFFF80  }
0xc8: {  	[tilespmem:s5], [sflag:$0x1] =	stream.indirect.gather [hbm4b:s4+s5], $0x80, s2, s5, $0xb8;
	[tilespmem:$0x4080] =	vst v63  }
.Ltmp0:
0xc9: {  	_ =	swait.ge [sflag:s6], $0x4000;
	(pc) =	sbr.rel @!p0 .LBB2_2-.Ltmp0, $4  }
0xca: {  	s0 =	sshll.u32 s0, $0x4;
	[sflag:s6] =	ssyncset.done $0x0;
	s31 =	rddreg [dreg:$0xb]  }
0xcb: {  	s31 =	sadd.s32 s31, s0;
	[sflag:s6] =	ssyncadd.s32 $0xFFFFC000  }
0xcc: {  	[hbm4b:s31+s2] =	stream.linear.scatter [tilespmem:s5], [sflag:$0x2], $0x4000, $0x38;
	[tilespmem:$0x4080] =	vst v63  }
0xcd: {  	s0 =	sadd.s32 $0xFFFFFFFF, s1;
	_ =	swait.ge [sflag:s3], $0x4000  }
.LBB2_1:
0xce: {  	[sflag:s3] =	ssyncset.done $0x0  }
0xcf: {  	s1 =	rddreg [dreg:$0x3];
	[sflag:s3] =	ssyncadd.s32 $0xFFFFC000  }
0xd0: {  	[tilespmem:s2], [sflag:$0x2] =	stream.linear.gather [hbm4b:s1+s2], $0x80, $0x38;
	[tilespmem:$0x4080] =	vst v63  }
0xd1: {  	_ =	swait.ge [sflag:s3], $0x80  }
0xd2: {  	[sflag:s3] =	ssyncset.done $0x0  }
0xd3: {  	[sflag:s3] =	ssyncadd.s32 $0xFFFFFF80  }
0xd4: {  	[tilespmem:s5], [sflag:$0x1] =	stream.indirect.gather [hbm4b:s4+s5], $0x80, s2, s5, $0xb8;
	[tilespmem:$0x4080] =	vst v63  }
0xd5: {  	_ =	swait.ge [sflag:s6], $0x4000  }
0xd6: {  	[sflag:s6] =	ssyncset.done $0x0  }
0xd7: {  	s1 =	rddreg [dreg:$0x4];
	[sflag:s6] =	ssyncadd.s32 $0xFFFFC000  }
0xd8: {  	[hbm4b:s1+s2] =	stream.linear.scatter [tilespmem:s5], [sflag:$0x2], $0x4000, $0x38;
	[tilespmem:$0x4080] =	vst v63  }
0xd9: {  	_ =	swait.ge [sflag:s3], $0x4000  }
0xda: {  	[sflag:s3] =	ssyncset.done $0x0  }
0xdb: {  	s1 =	rddreg [dreg:$0x5];
	[sflag:s3] =	ssyncadd.s32 $0xFFFFC000  }
0xdc: {  	[tilespmem:s2], [sflag:$0x2] =	stream.linear.gather [hbm4b:s1+s2], $0x80, $0x38;
	[tilespmem:$0x4080] =	vst v63  }
0xdd: {  	_ =	swait.ge [sflag:s3], $0x80  }
0xde: {  	[sflag:s3] =	ssyncset.done $0x0  }
0xdf: {  	[sflag:s3] =	ssyncadd.s32 $0xFFFFFF80  }
0xe0: {  	[tilespmem:s5], [sflag:$0x1] =	stream.indirect.gather [hbm4b:s4+s5], $0x80, s2, s5, $0xb8;
	[tilespmem:$0x4080] =	vst v63  }
0xe1: {  	_ =	swait.ge [sflag:s6], $0x4000  }
0xe2: {  	[sflag:s6] =	ssyncset.done $0x0  }
0xe3: {  	s1 =	rddreg [dreg:$0x6];
	[sflag:s6] =	ssyncadd.s32 $0xFFFFC000  }
0xe4: {  	[hbm4b:s1+s2] =	stream.linear.scatter [tilespmem:s5], [sflag:$0x2], $0x4000, $0x38;
	[tilespmem:$0x4080] =	vst v63  }
0xe5: {  	_ =	swait.ge [sflag:s3], $0x4000  }
0xe6: {  	[sflag:s3] =	ssyncset.done $0x0  }
0xe7: {  	s1 =	rddreg [dreg:$0x7];
	[sflag:s3] =	ssyncadd.s32 $0xFFFFC000  }
0xe8: {  	[tilespmem:s2], [sflag:$0x2] =	stream.linear.gather [hbm4b:s1+s2], $0x80, $0x38;
	[tilespmem:$0x4080] =	vst v63  }
0xe9: {  	_ =	swait.ge [sflag:s3], $0x80  }
0xea: {  	[sflag:s3] =	ssyncset.done $0x0  }
0xeb: {  	[sflag:s3] =	ssyncadd.s32 $0xFFFFFF80  }
0xec: {  	[tilespmem:s5], [sflag:$0x1] =	stream.indirect.gather [hbm4b:s4+s5], $0x80, s2, s5, $0xb8;
	[tilespmem:$0x4080] =	vst v63  }
0xed: {  	_ =	swait.ge [sflag:s6], $0x4000  }
0xee: {  	[sflag:s6] =	ssyncset.done $0x0  }
0xef: {  	s1 =	rddreg [dreg:$0x8];
	[sflag:s6] =	ssyncadd.s32 $0xFFFFC000  }
0xf0: {  	[hbm4b:s1+s2] =	stream.linear.scatter [tilespmem:s5], [sflag:$0x2], $0x4000, $0x38;
	[tilespmem:$0x4080] =	vst v63  }
0xf1: {  	_ =	swait.ge [sflag:s3], $0x4000  }
0xf2: {  	[sflag:s3] =	ssyncset.done $0x0  }
0xf3: {  	s1 =	rddreg [dreg:$0x9];
	[sflag:s3] =	ssyncadd.s32 $0xFFFFC000  }
0xf4: {  	[tilespmem:s2], [sflag:$0x2] =	stream.linear.gather [hbm4b:s1+s2], $0x80, $0x38;
	[tilespmem:$0x4080] =	vst v63  }
0xf5: {  	_ =	swait.ge [sflag:s3], $0x80  }
0xf6: {  	[sflag:s3] =	ssyncset.done $0x0  }
0xf7: {  	[sflag:s3] =	ssyncadd.s32 $0xFFFFFF80  }
0xf8: {  	[tilespmem:s5], [sflag:$0x1] =	stream.indirect.gather [hbm4b:s4+s5], $0x80, s2, s5, $0xb8;
	[tilespmem:$0x4080] =	vst v63  }
0xf9: {  	_ =	swait.ge [sflag:s6], $0x4000  }
0xfa: {  	[sflag:s6] =	ssyncset.done $0x0  }
0xfb: {  	s1 =	rddreg [dreg:$0xa];
	[sflag:s6] =	ssyncadd.s32 $0xFFFFC000  }
0xfc: {  	[hbm4b:s1+s2] =	stream.linear.scatter [tilespmem:s5], [sflag:$0x2], $0x4000, $0x38;
	[tilespmem:$0x4080] =	vst v63  }
0xfd: {  	_ =	swait.ge [sflag:s3], $0x4000  }
0xfe: {  	[sflag:s3] =	ssyncset.done $0x0  }
0xff: {  	[sflag:s3] =	ssyncadd.s32 $0xFFFFC000  }
0x100: {  	[tilespmem:s2], [sflag:$0x2] =	stream.linear.gather [hbm4b:s7+s2], $0x80, $0x38;
	[tilespmem:$0x4080] =	vst v63  }
0x101: {  	_ =	swait.ge [sflag:s3], $0x80  }
0x102: {  	[sflag:s3] =	ssyncset.done $0x0  }
0x103: {  	[sflag:s3] =	ssyncadd.s32 $0xFFFFFF80  }
0x104: {  	[tilespmem:s5], [sflag:$0x1] =	stream.indirect.gather [hbm4b:s4+s5], $0x80, s2, s5, $0xb8;
	[tilespmem:$0x4080] =	vst v63  }
0x105: {  	_ =	swait.ge [sflag:s6], $0x4000  }
0x106: {  	[sflag:s6] =	ssyncset.done $0x0  }
0x107: {  	[sflag:s6] =	ssyncadd.s32 $0xFFFFC000  }
0x108: {  	[hbm4b:s8+s2] =	stream.linear.scatter [tilespmem:s5], [sflag:$0x2], $0x4000, $0x38;
	[tilespmem:$0x4080] =	vst v63  }
0x109: {  	_ =	swait.ge [sflag:s3], $0x4000  }
0x10a: {  	[sflag:s3] =	ssyncset.done $0x0  }
0x10b: {  	[sflag:s3] =	ssyncadd.s32 $0xFFFFC000  }
0x10c: {  	[tilespmem:s2], [sflag:$0x2] =	stream.linear.gather [hbm4b:s9+s2], $0x80, $0x38;
	[tilespmem:$0x4080] =	vst v63  }
0x10d: {  	_ =	swait.ge [sflag:s3], $0x80  }
0x10e: {  	[sflag:s3] =	ssyncset.done $0x0  }
0x10f: {  	[sflag:s3] =	ssyncadd.s32 $0xFFFFFF80  }
0x110: {  	[tilespmem:s5], [sflag:$0x1] =	stream.indirect.gather [hbm4b:s4+s5], $0x80, s2, s5, $0xb8;
	[tilespmem:$0x4080] =	vst v63  }
0x111: {  	_ =	swait.ge [sflag:s6], $0x4000  }
0x112: {  	[sflag:s6] =	ssyncset.done $0x0  }
0x113: {  	[sflag:s6] =	ssyncadd.s32 $0xFFFFC000  }
0x114: {  	[hbm4b:s10+s2] =	stream.linear.scatter [tilespmem:s5], [sflag:$0x2], $0x4000, $0x38;
	[tilespmem:$0x4080] =	vst v63  }
0x115: {  	_ =	swait.ge [sflag:s3], $0x4000  }
0x116: {  	[sflag:s3] =	ssyncset.done $0x0  }
0x117: {  	[sflag:s3] =	ssyncadd.s32 $0xFFFFC000  }
0x118: {  	[tilespmem:s2], [sflag:$0x2] =	stream.linear.gather [hbm4b:s11+s2], $0x80, $0x38;
	[tilespmem:$0x4080] =	vst v63  }
0x119: {  	_ =	swait.ge [sflag:s3], $0x80  }
0x11a: {  	[sflag:s3] =	ssyncset.done $0x0  }
0x11b: {  	[sflag:s3] =	ssyncadd.s32 $0xFFFFFF80  }
0x11c: {  	[tilespmem:s5], [sflag:$0x1] =	stream.indirect.gather [hbm4b:s4+s5], $0x80, s2, s5, $0xb8;
	[tilespmem:$0x4080] =	vst v63  }
0x11d: {  	_ =	swait.ge [sflag:s6], $0x4000  }
0x11e: {  	[sflag:s6] =	ssyncset.done $0x0  }
0x11f: {  	[sflag:s6] =	ssyncadd.s32 $0xFFFFC000  }
0x120: {  	[hbm4b:s12+s2] =	stream.linear.scatter [tilespmem:s5], [sflag:$0x2], $0x4000, $0x38;
	[tilespmem:$0x4080] =	vst v63  }
0x121: {  	_ =	swait.ge [sflag:s3], $0x4000  }
0x122: {  	[sflag:s3] =	ssyncset.done $0x0  }
0x123: {  	[sflag:s3] =	ssyncadd.s32 $0xFFFFC000  }
0x124: {  	[tilespmem:s2], [sflag:$0x2] =	stream.linear.gather [hbm4b:s13+s2], $0x80, $0x38;
	[tilespmem:$0x4080] =	vst v63  }
0x125: {  	_ =	swait.ge [sflag:s3], $0x80  }
0x126: {  	[sflag:s3] =	ssyncset.done $0x0  }
0x127: {  	[sflag:s3] =	ssyncadd.s32 $0xFFFFFF80  }
0x128: {  	[tilespmem:s5], [sflag:$0x1] =	stream.indirect.gather [hbm4b:s4+s5], $0x80, s2, s5, $0xb8;
	[tilespmem:$0x4080] =	vst v63  }
0x129: {  	_ =	swait.ge [sflag:s6], $0x4000  }
0x12a: {  	[sflag:s6] =	ssyncset.done $0x0  }
0x12b: {  	[sflag:s6] =	ssyncadd.s32 $0xFFFFC000  }
0x12c: {  	[hbm4b:s14+s2] =	stream.linear.scatter [tilespmem:s5], [sflag:$0x2], $0x4000, $0x38;
	[tilespmem:$0x4080] =	vst v63  }
0x12d: {  	_ =	swait.ge [sflag:s3], $0x4000  }
0x12e: {  	[sflag:s3] =	ssyncset.done $0x0  }
0x12f: {  	[sflag:s3] =	ssyncadd.s32 $0xFFFFC000  }
0x130: {  	[tilespmem:s2], [sflag:$0x2] =	stream.linear.gather [hbm4b:s15+s2], $0x80, $0x38;
	[tilespmem:$0x4080] =	vst v63  }
0x131: {  	_ =	swait.ge [sflag:s3], $0x80  }
0x132: {  	[sflag:s3] =	ssyncset.done $0x0  }
0x133: {  	[sflag:s3] =	ssyncadd.s32 $0xFFFFFF80  }
0x134: {  	[tilespmem:s5], [sflag:$0x1] =	stream.indirect.gather [hbm4b:s4+s5], $0x80, s2, s5, $0xb8;
	[tilespmem:$0x4080] =	vst v63  }
0x135: {  	_ =	swait.ge [sflag:s6], $0x4000  }
0x136: {  	[sflag:s6] =	ssyncset.done $0x0  }
0x137: {  	[sflag:s6] =	ssyncadd.s32 $0xFFFFC000  }
0x138: {  	[hbm4b:s16+s2] =	stream.linear.scatter [tilespmem:s5], [sflag:$0x2], $0x4000, $0x38;
	[tilespmem:$0x4080] =	vst v63  }
0x139: {  	_ =	swait.ge [sflag:s3], $0x4000  }
0x13a: {  	[sflag:s3] =	ssyncset.done $0x0  }
0x13b: {  	[sflag:s3] =	ssyncadd.s32 $0xFFFFC000  }
0x13c: {  	[tilespmem:s2], [sflag:$0x2] =	stream.linear.gather [hbm4b:s17+s2], $0x80, $0x38;
	[tilespmem:$0x4080] =	vst v63  }
0x13d: {  	_ =	swait.ge [sflag:s3], $0x80  }
0x13e: {  	[sflag:s3] =	ssyncset.done $0x0  }
0x13f: {  	[sflag:s3] =	ssyncadd.s32 $0xFFFFFF80  }
0x140: {  	[tilespmem:s5], [sflag:$0x1] =	stream.indirect.gather [hbm4b:s4+s5], $0x80, s2, s5, $0xb8;
	[tilespmem:$0x4080] =	vst v63  }
0x141: {  	_ =	swait.ge [sflag:s6], $0x4000  }
0x142: {  	[sflag:s6] =	ssyncset.done $0x0  }
0x143: {  	[sflag:s6] =	ssyncadd.s32 $0xFFFFC000  }
0x144: {  	[hbm4b:s18+s2] =	stream.linear.scatter [tilespmem:s5], [sflag:$0x2], $0x4000, $0x38;
	[tilespmem:$0x4080] =	vst v63  }
0x145: {  	_ =	swait.ge [sflag:s3], $0x4000  }
0x146: {  	[sflag:s3] =	ssyncset.done $0x0  }
0x147: {  	[sflag:s3] =	ssyncadd.s32 $0xFFFFC000  }
0x148: {  	[tilespmem:s2], [sflag:$0x2] =	stream.linear.gather [hbm4b:s19+s2], $0x80, $0x38;
	[tilespmem:$0x4080] =	vst v63  }
0x149: {  	_ =	swait.ge [sflag:s3], $0x80  }
0x14a: {  	[sflag:s3] =	ssyncset.done $0x0  }
0x14b: {  	[sflag:s3] =	ssyncadd.s32 $0xFFFFFF80  }
0x14c: {  	[tilespmem:s5], [sflag:$0x1] =	stream.indirect.gather [hbm4b:s4+s5], $0x80, s2, s5, $0xb8;
	[tilespmem:$0x4080] =	vst v63  }
0x14d: {  	_ =	swait.ge [sflag:s6], $0x4000  }
0x14e: {  	[sflag:s6] =	ssyncset.done $0x0  }
0x14f: {  	[sflag:s6] =	ssyncadd.s32 $0xFFFFC000  }
0x150: {  	[hbm4b:s20+s2] =	stream.linear.scatter [tilespmem:s5], [sflag:$0x2], $0x4000, $0x38;
	[tilespmem:$0x4080] =	vst v63  }
0x151: {  	_ =	swait.ge [sflag:s3], $0x4000  }
0x152: {  	[sflag:s3] =	ssyncset.done $0x0  }
0x153: {  	[sflag:s3] =	ssyncadd.s32 $0xFFFFC000  }
0x154: {  	[tilespmem:s2], [sflag:$0x2] =	stream.linear.gather [hbm4b:s21+s2], $0x80, $0x38;
	[tilespmem:$0x4080] =	vst v63  }
0x155: {  	_ =	swait.ge [sflag:s3], $0x80  }
0x156: {  	[sflag:s3] =	ssyncset.done $0x0  }
0x157: {  	[sflag:s3] =	ssyncadd.s32 $0xFFFFFF80  }
0x158: {  	[tilespmem:s5], [sflag:$0x1] =	stream.indirect.gather [hbm4b:s4+s5], $0x80, s2, s5, $0xb8;
	[tilespmem:$0x4080] =	vst v63  }
0x159: {  	_ =	swait.ge [sflag:s6], $0x4000  }
0x15a: {  	[sflag:s6] =	ssyncset.done $0x0  }
0x15b: {  	[sflag:s6] =	ssyncadd.s32 $0xFFFFC000  }
0x15c: {  	[hbm4b:s22+s2] =	stream.linear.scatter [tilespmem:s5], [sflag:$0x2], $0x4000, $0x38;
	[tilespmem:$0x4080] =	vst v63  }
0x15d: {  	_ =	swait.ge [sflag:s3], $0x4000  }
0x15e: {  	[sflag:s3] =	ssyncset.done $0x0  }
0x15f: {  	[sflag:s3] =	ssyncadd.s32 $0xFFFFC000  }
0x160: {  	[tilespmem:s2], [sflag:$0x2] =	stream.linear.gather [hbm4b:s23+s2], $0x80, $0x38;
	[tilespmem:$0x4080] =	vst v63  }
0x161: {  	_ =	swait.ge [sflag:s3], $0x80  }
0x162: {  	[sflag:s3] =	ssyncset.done $0x0  }
0x163: {  	[sflag:s3] =	ssyncadd.s32 $0xFFFFFF80  }
0x164: {  	[tilespmem:s5], [sflag:$0x1] =	stream.indirect.gather [hbm4b:s4+s5], $0x80, s2, s5, $0xb8;
	[tilespmem:$0x4080] =	vst v63  }
0x165: {  	_ =	swait.ge [sflag:s6], $0x4000  }
0x166: {  	[sflag:s6] =	ssyncset.done $0x0  }
0x167: {  	[sflag:s6] =	ssyncadd.s32 $0xFFFFC000  }
0x168: {  	[hbm4b:s24+s2] =	stream.linear.scatter [tilespmem:s5], [sflag:$0x2], $0x4000, $0x38;
	[tilespmem:$0x4080] =	vst v63  }
0x169: {  	_ =	swait.ge [sflag:s3], $0x4000  }
0x16a: {  	[sflag:s3] =	ssyncset.done $0x0  }
0x16b: {  	[sflag:s3] =	ssyncadd.s32 $0xFFFFC000  }
0x16c: {  	[tilespmem:s2], [sflag:$0x2] =	stream.linear.gather [hbm4b:s25+s2], $0x80, $0x38;
	[tilespmem:$0x4080] =	vst v63  }
0x16d: {  	_ =	swait.ge [sflag:s3], $0x80  }
0x16e: {  	[sflag:s3] =	ssyncset.done $0x0  }
0x16f: {  	[sflag:s3] =	ssyncadd.s32 $0xFFFFFF80  }
0x170: {  	[tilespmem:s5], [sflag:$0x1] =	stream.indirect.gather [hbm4b:s4+s5], $0x80, s2, s5, $0xb8;
	[tilespmem:$0x4080] =	vst v63  }
0x171: {  	_ =	swait.ge [sflag:s6], $0x4000  }
0x172: {  	[sflag:s6] =	ssyncset.done $0x0  }
0x173: {  	[sflag:s6] =	ssyncadd.s32 $0xFFFFC000  }
0x174: {  	[hbm4b:s26+s2] =	stream.linear.scatter [tilespmem:s5], [sflag:$0x2], $0x4000, $0x38;
	[tilespmem:$0x4080] =	vst v63  }
0x175: {  	_ =	swait.ge [sflag:s3], $0x4000  }
0x176: {  	[sflag:s3] =	ssyncset.done $0x0  }
0x177: {  	[sflag:s3] =	ssyncadd.s32 $0xFFFFC000  }
0x178: {  	[tilespmem:s2], [sflag:$0x2] =	stream.linear.gather [hbm4b:s28+s2], $0x80, $0x38;
	[tilespmem:$0x4080] =	vst v63  }
0x179: {  	_ =	swait.ge [sflag:s3], $0x80  }
0x17a: {  	[sflag:s3] =	ssyncset.done $0x0  }
0x17b: {  	[sflag:s3] =	ssyncadd.s32 $0xFFFFFF80  }
0x17c: {  	[tilespmem:s5], [sflag:$0x1] =	stream.indirect.gather [hbm4b:s4+s5], $0x80, s2, s5, $0xb8;
	[tilespmem:$0x4080] =	vst v63  }
0x17d: {  	_ =	swait.ge [sflag:s6], $0x4000  }
0x17e: {  	[sflag:s6] =	ssyncset.done $0x0  }
0x17f: {  	[sflag:s6] =	ssyncadd.s32 $0xFFFFC000  }
0x180: {  	[hbm4b:s29+s2] =	stream.linear.scatter [tilespmem:s5], [sflag:$0x2], $0x4000, $0x38;
	[tilespmem:$0x4080] =	vst v63  }
0x181: {  	_ =	swait.ge [sflag:s3], $0x4000  }
0x182: {  	[sflag:s3] =	ssyncset.done $0x0  }
0x183: {  	[sflag:s3] =	ssyncadd.s32 $0xFFFFC000  }
0x184: {  	[tilespmem:s2], [sflag:$0x2] =	stream.linear.gather [hbm4b:s30+s2], $0x80, $0x38;
	[tilespmem:$0x4080] =	vst v63  }
0x185: {  	_ =	swait.ge [sflag:s3], $0x80  }
0x186: {  	[sflag:s3] =	ssyncset.done $0x0  }
0x187: {  	p0 =	sne.s32 s0, $0x1;
	[sflag:s3] =	ssyncadd.s32 $0xFFFFFF80  }
0x188: {  	[tilespmem:s5], [sflag:$0x1] =	stream.indirect.gather [hbm4b:s4+s5], $0x80, s2, s5, $0xb8;
	[tilespmem:$0x4080] =	vst v63  }
.Ltmp1:
0x189: {  	_ =	swait.ge [sflag:s6], $0x4000;
	(pc) =	sbr.rel @p0 .LBB2_1-.Ltmp1, $4  }
0x18a: {  	[sflag:s6] =	ssyncset.done $0x0  }
0x18b: {  	[sflag:s6] =	ssyncadd.s32 $0xFFFFC000  }
0x18c: {  	[hbm4b:s31+s2] =	stream.linear.scatter [tilespmem:s5], [sflag:$0x2], $0x4000, $0x38;
	[tilespmem:$0x4080] =	vst v63  }
0x18d: {  	s0 =	sadd.s32 $0xFFFFFFFF, s0;
	_ =	swait.ge [sflag:s3], $0x4000  }
.LBB2_2:
0x18e: {  	[sflag:s3] =	ssyncset.done $0x0  }
0x18f: {  	[sflag:s3] =	ssyncadd.s32 $0xFFFFC000  }
0x190: {  	_ =	sfence.sel $0x180000  }
0x191: {  	[bflag:$0x0] =	sbarrier.arrive $0xFFFF  }
0x192: {  	_ =	strace $0x90000047  }
0x193: {  	s0 =	stileid.u32;
	[bflag:$0x2] =	sbarrier.arrive $0xFFFF  }
0x194: {  	p0 =	sne.s32 s0, $0x0;
	s0 =	rddreg [dreg:$0x2]  }
0x195: {  	s0 =	sadd.s32 @!p0 $0x100000, s0  }
0x196: {  	[sflag:s0] =	ssyncadd.tile.s32 @!p0 $0x1;
	_ =	shalt  }
.Lfunc_end2:
_tile_overlayer_lowered:
.L_overlay_start_2:
0x197: {  	(tag) =	ssettag $0x2  }
0x198: {  	s0 =	rddreg [dreg:$0x0];
	s2 =	stileid.u32  }
0x199: {  	s1 =	rddreg [dreg:$0x1];
	p0 =	sne.s32 s2, $0x0  }
0x19a: {  	s3 =	rddreg [dreg:$0x2];
	[bflag:$0x3] =	sbarrier.arrive $0xFFFF;
	s2 =	simm.s32 @!p0 $0x1C02  }
0x19b: {  	[timem:s3], [sflag:s2] =	dma.local @!p0 [hbm:s0], s1  }
0x19c: {  	s0 =	simm.s32 @!p0 $0x2  }
0x19d: {  	_ =	swait.ge @!p0 [sflag:s0], s1  }
0x19e: {  	s1 =	ssub.s32 @!p0 $0x0, s1;
	[sflag:s0] =	ssyncset.done @!p0 $0x0  }
0x19f: {  	[sflag:s0] =	ssyncadd.s32 @!p0 s1  }
0x1a0: {  	[bflag:$0x3] =	sbarrier.arrive $0xFFFF  }
0x1a1: {  	_ =	shalt  }

</sc_bundles>
